<compile_context>
chip_gen: v7x
topology: tpu7x:2x2x1
jax: 0.10.2.dev20260603
libtpu: 0.0.44.dev20260713+nightly
codegen_flags: <defaults>
</compile_context>

<pallas_src>
import functools

import jax
import jax.numpy as jnp
from jax import lax
from jax.experimental import pallas as pl
from jax.experimental.pallas import tpu as pltpu
from jax.experimental.pallas import tpu_sc as plsc

_R = 64
_B = 128
_N = 10000
_K = 20

_NB = 400
_NBLK = _N // _NB

_L = 16
_KP = 24
_NC = _NBLK * _KP
_ROWS2 = 608
_SG2 = _ROWS2 // _L
_NGRP = _B // _L

_NEG = float("-inf")
_BIG = 2**30


def _score_body(w_ref, gx_ref, bias_ref, out_ref, cval_ref, cidx_ref):
    xb = gx_ref[...].astype(jnp.bfloat16)
    x2 = xb.reshape(_R, _NB * _B)
    wb = w_ref[...]
    acc = lax.dot_general(
        wb, x2, (((1,), (0,)), ((), ())),
        preferred_element_type=jnp.float32,
    ).reshape(_NB, _B)
    s = acc + bias_ref[...]
    out_ref[...] = s

    j = pl.program_id(0)
    row = lax.broadcasted_iota(jnp.int32, (_NB, _B), 0)
    krow = lax.broadcasted_iota(jnp.int32, (_KP, _B), 0)
    vals = jnp.full((_KP, _B), _NEG, jnp.float32)
    idxs = jnp.zeros((_KP, _B), jnp.int32)
    for i in range(_K):
        m = jnp.max(s, axis=0, keepdims=True)
        cand = jnp.where(s == m, row, jnp.int32(_BIG))
        ix = jnp.min(cand, axis=0, keepdims=True)
        vals = jnp.where(krow == i, m, vals)
        idxs = jnp.where(krow == i, ix + j * _NB, idxs)
        s = jnp.where(row == ix, _NEG, s)
    cval_ref[...] = vals
    cidx_ref[...] = idxs


def _score(gx_t, wb, bias2):
    return pl.pallas_call(
        _score_body,
        grid=(_NBLK,),
        in_specs=[
            pl.BlockSpec((1, _R), lambda j: (0, 0)),
            pl.BlockSpec((_R, _NB, _B), lambda j: (0, j, 0)),
            pl.BlockSpec((_NB, 1), lambda j: (j, 0)),
        ],
        out_specs=[
            pl.BlockSpec((_NB, _B), lambda j: (j, 0)),
            pl.BlockSpec((_KP, _B), lambda j: (j, 0)),
            pl.BlockSpec((_KP, _B), lambda j: (j, 0)),
        ],
        out_shape=[
            jax.ShapeDtypeStruct((_N, _B), jnp.float32),
            jax.ShapeDtypeStruct((_NC, _B), jnp.float32),
            jax.ShapeDtypeStruct((_NC, _B), jnp.int32),
        ],
        compiler_params=pltpu.CompilerParams(
            dimension_semantics=("arbitrary",),
        ),
    )(wb, gx_t, bias2)


def _neg16():
    return jnp.full((_L,), _NEG, jnp.float32)


def _make_merge():
    mesh = plsc.VectorSubcoreMesh(core_axis_name="c", subcore_axis_name="s")

    @functools.partial(
        pl.kernel, mesh=mesh,
        compiler_params=pltpu.CompilerParams(
            use_tc_tiling_on_sc=False, needs_layout_passes=False),
        out_type=[
            jax.ShapeDtypeStruct((_K, _B), jnp.float32),
            jax.ShapeDtypeStruct((_K, _B), jnp.int32),
        ],
        scratch_types=[
            pltpu.VMEM((_ROWS2, _L), jnp.float32),
            pltpu.VMEM((_NC, _L), jnp.int32),
            pltpu.VMEM((_SG2, _L), jnp.float32),
            pltpu.VMEM((_K, _L), jnp.float32),
            pltpu.VMEM((_K, _L), jnp.int32),
        ],
    )
    def merge(cval_hbm, cidx_hbm, tv_hbm, ti_hbm, v2_v, i2_v, gm_v,
              ov_v, oi_v):
        w = lax.axis_index("c") * 16 + lax.axis_index("s")

        @pl.when(w < _NGRP)
        def _():
            sl = pl.ds(w * _L, _L)
            sl2 = pl.ds(0, _L)
            for r in range(_NC, _ROWS2):
                v2_v[r, sl2] = _neg16()
            pltpu.sync_copy(cval_hbm.at[:, sl], v2_v.at[pl.ds(0, _NC)])
            pltpu.sync_copy(cidx_hbm.at[:, sl], i2_v)
            lane_idx = lax.iota(jnp.int32, _L)

            def sg_body(sg, _):
                acc = _neg16()
                for jj in range(_L):
                    acc = jnp.maximum(acc, v2_v[sg * _L + jj, sl2])
                gm_v[sg, sl2] = acc
                return 0
            lax.fori_loop(0, _SG2, sg_body, 0)

            def k_body(kk, _):
                def ma_body(sg, carry):
                    m, a = carry
                    v = gm_v[sg, sl2]
                    gt = v > m
                    return jnp.where(gt, v, m), jnp.where(gt, sg, a)
                m, argsg = lax.fori_loop(
                    0, _SG2, ma_body,
                    (_neg16(), jnp.full((_L,), _BIG, jnp.int32)))

                base = argsg * _L
                rbest = jnp.full((_L,), _BIG, jnp.int32)
                vals = []
                for jj in range(_L):
                    rr = base + jj
                    vj = plsc.load_gather(v2_v, [rr, lane_idx])
                    vals.append((rr, vj))
                    hit = (vj == m) & (rbest == _BIG)
                    rbest = jnp.where(hit, rr, rbest)
                newgm = _neg16()
                for rr, vj in vals:
                    vj2 = jnp.where(rr == rbest, _NEG, vj)
                    newgm = jnp.maximum(newgm, vj2)
                plsc.store_scatter(v2_v, [rbest, lane_idx], _neg16())
                plsc.store_scatter(gm_v, [argsg, lane_idx], newgm)
                ov_v[kk, sl2] = m
                oi_v[kk, sl2] = plsc.load_gather(i2_v, [rbest, lane_idx])
                return 0

            lax.fori_loop(0, _K, k_body, 0)
            pltpu.sync_copy(ov_v, tv_hbm.at[:, sl])
            pltpu.sync_copy(oi_v, ti_hbm.at[:, sl])

    return merge


def kernel(grounding_x, rule_weights, bias, all_h, all_r, k):
    gx_t = jnp.transpose(grounding_x, (0, 2, 1))
    wb = rule_weights.astype(jnp.bfloat16).reshape(1, _R)
    bias2 = bias.reshape(_N, 1)
    score_t, cval, cidx = _score(gx_t, wb, bias2)
    vals_t, idx_t = _make_merge()(cval, cidx)
    mask = jnp.ones((_B, _N), dtype=jnp.bool_)
    return score_t.T, mask, vals_t.T, idx_t.T

# --- scband reference (transcript-rebuilt; emitter-appended) ---
"""Pipeline reference for scband-predictor-82987358093552 (READ-ONLY COPY).

The authoritative reference and input builder live on the scoring server;
editing this copy changes nothing except your own understanding.
"""

import jax, jax.numpy as jnp
import numpy as np

NUM_RULES = 64
BATCH = 128
NUM_ENTITIES = 10000
TOP_K = 20


def setup_inputs(seed: int = 0) -> dict:
    key = jax.random.key(seed)
    k1, k2, k3, k4 = jax.random.split(key, 4)
    # grounding_x[r, b, n] = path-count grounding of rule r from head all_h[b] to entity n.
    # Groundings are sparse non-negative counts; emulate with thresholded uniform noise.
    gx = jax.random.uniform(k1, (NUM_RULES, BATCH, NUM_ENTITIES), dtype=jnp.float32)
    grounding_x = jnp.where(gx > 0.9, gx * 10.0, 0.0)
    rule_weights = jax.random.normal(k2, (NUM_RULES,), dtype=jnp.float32)
    bias = jax.random.normal(k3, (NUM_ENTITIES,), dtype=jnp.float32)
    all_h = jax.random.randint(k4, (BATCH,), 0, NUM_ENTITIES, dtype=jnp.int32)
    all_r = jnp.zeros((BATCH,), dtype=jnp.int32)  # single query relation, as asserted in forward
    return {
        "grounding_x": grounding_x,
        "rule_weights": rule_weights,
        "bias": bias,
        "all_h": all_h,
        "all_r": all_r,
        "k": TOP_K,
    }


def reference(grounding_x, rule_weights, bias, all_h, all_r, k):
    # Faithful translation of Predictor.forward with entity_feature == 'bias':
    #   for each rule index of query_r: score += grounding(all_h, r_head, r_body) * rule_weights[index]
    #                                   mask  += grounding(...)
    # The per-rule groundings are precomputed into grounding_x[r, b, n].
    score = jnp.einsum('rbn,r->bn', grounding_x, rule_weights)
    mask_acc = jnp.sum(grounding_x, axis=0)
    # entity_feature == 'bias' branch: score = score + bias; mask = ones(bool)
    score = score + bias[None, :]
    mask = jnp.ones_like(mask_acc).astype(bool)
    # top-k masking step from get_main_rules: torch.topk(score * flag, k, dim=1) with flag == 1
    top_node_scores, top_nodes = jax.lax.top_k(score, TOP_K)
    top_nodes = top_nodes + (jnp.asarray(k, dtype=top_nodes.dtype) - jnp.asarray(k, dtype=top_nodes.dtype))
    return score, mask, top_node_scores, top_nodes

if __name__ == "__main__":
    import jax
    _d = setup_inputs()
    print(jax.jit(kernel)(*tuple(_d.values())))

</pallas_src>

<mosaic_0001>
#map = affine_map<(d0, d1) -> (0, 0)>
module attributes {stable_mosaic.version = 14 : i64} {
  func.func @merge(%arg0: i32, %arg1: i32, %arg2: memref<600x128xf32, #tpu.memory_space<hbm>>, %arg3: memref<600x128xi32, #tpu.memory_space<hbm>>, %arg4: memref<20x128xf32, #tpu.memory_space<hbm>>, %arg5: memref<20x128xi32, #tpu.memory_space<hbm>>, %arg6: memref<608x16xf32, #tpu.memory_space<vmem>>, %arg7: memref<600x16xi32, #tpu.memory_space<vmem>>, %arg8: memref<38x16xf32, #tpu.memory_space<vmem>>, %arg9: memref<20x16xf32, #tpu.memory_space<vmem>>, %arg10: memref<20x16xi32, #tpu.memory_space<vmem>>) attributes {dimension_semantics = [#tpu.dimension_semantics<core_parallel>, #tpu.dimension_semantics<subcore_parallel>], iteration_bounds = array<i64: 2, 16>, scalar_prefetch = 0 : i64, scratch_operands = 5 : i64, tpu.core_type = #tpu.core_type<sc_vector_subcore>, window_params = [{transform_indices = #map}, {transform_indices = #map}, {transform_indices = #map}, {transform_indices = #map}]} {
    %mul3A = arith.constant 16 : i32
    %mul3A_0 = arith.muli %arg0, %mul3A : i32
    %add3A = arith.addi %mul3A_0, %arg1 : i32
    %lt3A = arith.constant 8 : i32
    %lt3A_1 = arith.cmpi slt, %add3A, %lt3A : i32
    %convert_element_type3A = arith.extui %lt3A_1 : i1 to i32
    %cond3A = arith.constant 0 : i32
    %cond3A_2 = arith.cmpi ne, %convert_element_type3A, %cond3A : i32
    scf.if %cond3A_2 {
      %mul3A_3 = arith.constant 16 : i32
      %mul3A_4 = arith.muli %add3A, %mul3A_3 : i32
      %broadcast_in_dim3A = arith.constant 0xFF800000 : f32
      %broadcast_in_dim3A_5 = vector.broadcast %broadcast_in_dim3A : f32 to vector<16xf32>
      %swap3A = arith.constant 600 : i32
      %swap3A_6 = arith.index_cast %swap3A : i32 to index
      %swap3A_7 = arith.constant 0 : index
      %swap3A_8 = tpu.vector_load %arg6[%swap3A_6, %swap3A_7] {strides = array<i32>} : memref<608x16xf32, #tpu.memory_space<vmem>>, vector<16xf32>,
      tpu.vector_store %arg6[%swap3A_6, %swap3A_7], %broadcast_in_dim3A_5 {strides = array<i32>} : memref<608x16xf32, #tpu.memory_space<vmem>>, vector<16xf32>,
      %broadcast_in_dim3A_9 = arith.constant 0xFF800000 : f32
      %broadcast_in_dim3A_10 = vector.broadcast %broadcast_in_dim3A_9 : f32 to vector<16xf32>
      %swap3A_11 = arith.constant 601 : i32
      %swap3A_12 = arith.index_cast %swap3A_11 : i32 to index
      %swap3A_13 = arith.constant 0 : index
      %swap3A_14 = tpu.vector_load %arg6[%swap3A_12, %swap3A_13] {strides = array<i32>} : memref<608x16xf32, #tpu.memory_space<vmem>>, vector<16xf32>,
      tpu.vector_store %arg6[%swap3A_12, %swap3A_13], %broadcast_in_dim3A_10 {strides = array<i32>} : memref<608x16xf32, #tpu.memory_space<vmem>>, vector<16xf32>,
      %broadcast_in_dim3A_15 = arith.constant 0xFF800000 : f32
      %broadcast_in_dim3A_16 = vector.broadcast %broadcast_in_dim3A_15 : f32 to vector<16xf32>
      %swap3A_17 = arith.constant 602 : i32
      %swap3A_18 = arith.index_cast %swap3A_17 : i32 to index
      %swap3A_19 = arith.constant 0 : index
      %swap3A_20 = tpu.vector_load %arg6[%swap3A_18, %swap3A_19] {strides = array<i32>} : memref<608x16xf32, #tpu.memory_space<vmem>>, vector<16xf32>,
      tpu.vector_store %arg6[%swap3A_18, %swap3A_19], %broadcast_in_dim3A_16 {strides = array<i32>} : memref<608x16xf32, #tpu.memory_space<vmem>>, vector<16xf32>,
      %broadcast_in_dim3A_21 = arith.constant 0xFF800000 : f32
      %broadcast_in_dim3A_22 = vector.broadcast %broadcast_in_dim3A_21 : f32 to vector<16xf32>
      %swap3A_23 = arith.constant 603 : i32
      %swap3A_24 = arith.index_cast %swap3A_23 : i32 to index
      %swap3A_25 = arith.constant 0 : index
      %swap3A_26 = tpu.vector_load %arg6[%swap3A_24, %swap3A_25] {strides = array<i32>} : memref<608x16xf32, #tpu.memory_space<vmem>>, vector<16xf32>,
      tpu.vector_store %arg6[%swap3A_24, %swap3A_25], %broadcast_in_dim3A_22 {strides = array<i32>} : memref<608x16xf32, #tpu.memory_space<vmem>>, vector<16xf32>,
      %broadcast_in_dim3A_27 = arith.constant 0xFF800000 : f32
      %broadcast_in_dim3A_28 = vector.broadcast %broadcast_in_dim3A_27 : f32 to vector<16xf32>
      %swap3A_29 = arith.constant 604 : i32
      %swap3A_30 = arith.index_cast %swap3A_29 : i32 to index
      %swap3A_31 = arith.constant 0 : index
      %swap3A_32 = tpu.vector_load %arg6[%swap3A_30, %swap3A_31] {strides = array<i32>} : memref<608x16xf32, #tpu.memory_space<vmem>>, vector<16xf32>,
      tpu.vector_store %arg6[%swap3A_30, %swap3A_31], %broadcast_in_dim3A_28 {strides = array<i32>} : memref<608x16xf32, #tpu.memory_space<vmem>>, vector<16xf32>,
      %broadcast_in_dim3A_33 = arith.constant 0xFF800000 : f32
      %broadcast_in_dim3A_34 = vector.broadcast %broadcast_in_dim3A_33 : f32 to vector<16xf32>
      %swap3A_35 = arith.constant 605 : i32
      %swap3A_36 = arith.index_cast %swap3A_35 : i32 to index
      %swap3A_37 = arith.constant 0 : index
      %swap3A_38 = tpu.vector_load %arg6[%swap3A_36, %swap3A_37] {strides = array<i32>} : memref<608x16xf32, #tpu.memory_space<vmem>>, vector<16xf32>,
      tpu.vector_store %arg6[%swap3A_36, %swap3A_37], %broadcast_in_dim3A_34 {strides = array<i32>} : memref<608x16xf32, #tpu.memory_space<vmem>>, vector<16xf32>,
      %broadcast_in_dim3A_39 = arith.constant 0xFF800000 : f32
      %broadcast_in_dim3A_40 = vector.broadcast %broadcast_in_dim3A_39 : f32 to vector<16xf32>
      %swap3A_41 = arith.constant 606 : i32
      %swap3A_42 = arith.index_cast %swap3A_41 : i32 to index
      %swap3A_43 = arith.constant 0 : index
      %swap3A_44 = tpu.vector_load %arg6[%swap3A_42, %swap3A_43] {strides = array<i32>} : memref<608x16xf32, #tpu.memory_space<vmem>>, vector<16xf32>,
      tpu.vector_store %arg6[%swap3A_42, %swap3A_43], %broadcast_in_dim3A_40 {strides = array<i32>} : memref<608x16xf32, #tpu.memory_space<vmem>>, vector<16xf32>,
      %broadcast_in_dim3A_45 = arith.constant 0xFF800000 : f32
      %broadcast_in_dim3A_46 = vector.broadcast %broadcast_in_dim3A_45 : f32 to vector<16xf32>
      %swap3A_47 = arith.constant 607 : i32
      %swap3A_48 = arith.index_cast %swap3A_47 : i32 to index
      %swap3A_49 = arith.constant 0 : index
      %swap3A_50 = tpu.vector_load %arg6[%swap3A_48, %swap3A_49] {strides = array<i32>} : memref<608x16xf32, #tpu.memory_space<vmem>>, vector<16xf32>,
      tpu.vector_store %arg6[%swap3A_48, %swap3A_49], %broadcast_in_dim3A_46 {strides = array<i32>} : memref<608x16xf32, #tpu.memory_space<vmem>>, vector<16xf32>,
      "tpu.region"() ({
        %run_scoped3A = tpu.sem_alloc : memref<!tpu.dma_semaphore, #tpu.memory_space<semaphore_mem>>
        %dma_start3A = arith.constant 0 : i32
        %dma_start3A_64 = arith.constant 0 : i32
        %dma_start3A_65 = tpu.memref_slice %arg6[%dma_start3A, %dma_start3A_64] : memref<608x16xf32, #tpu.memory_space<vmem>> -> memref<600x16xf32, #tpu.memory_space<vmem>>
        %dma_start3A_66 = arith.constant 0 : i32
        %dma_start3A_67 = tpu.memref_slice %arg2[%dma_start3A_66, %mul3A_4] : memref<600x128xf32, #tpu.memory_space<hbm>> -> memref<600x16xf32, #tpu.memory_space<hbm>>
        %dma_start3A_68 = arith.constant 0 : i32
        %dma_start3A_69 = arith.constant 0 : i32
        %dma_start3A_70 = tpu.memref_slice %arg6[%dma_start3A_68, %dma_start3A_69] : memref<608x16xf32, #tpu.memory_space<vmem>> -> memref<600x16xf32, #tpu.memory_space<vmem>>
        %dma_start3A_71 = arith.constant 0 : i32
        %dma_start3A_72 = tpu.memref_slice %arg2[%dma_start3A_71, %mul3A_4] : memref<600x128xf32, #tpu.memory_space<hbm>> -> memref<600x16xf32, #tpu.memory_space<hbm>>
        tpu.enqueue_dma source(%dma_start3A_72 : memref<600x16xf32, #tpu.memory_space<hbm>>) target(%dma_start3A_70 : memref<600x16xf32, #tpu.memory_space<vmem>>) target_semaphore(%run_scoped3A : memref<!tpu.dma_semaphore, #tpu.memory_space<semaphore_mem>>)
        %dma_wait3A = arith.constant 0 : i32
        %dma_wait3A_73 = arith.constant 0 : i32
        %dma_wait3A_74 = tpu.memref_slice %arg6[%dma_wait3A, %dma_wait3A_73] : memref<608x16xf32, #tpu.memory_space<vmem>> -> memref<600x16xf32, #tpu.memory_space<vmem>>
        %dma_wait3A_75 = arith.constant 0 : i32
        %dma_wait3A_76 = tpu.memref_slice %arg2[%dma_wait3A_75, %mul3A_4] : memref<600x128xf32, #tpu.memory_space<hbm>> -> memref<600x16xf32, #tpu.memory_space<hbm>>
        %dma_wait3A_77 = arith.constant 0 : i32
        %dma_wait3A_78 = arith.constant 0 : i32
        %dma_wait3A_79 = tpu.memref_slice %arg6[%dma_wait3A_77, %dma_wait3A_78] : memref<608x16xf32, #tpu.memory_space<vmem>> -> memref<600x16xf32, #tpu.memory_space<vmem>>
        %dma_wait3A_80 = arith.constant 0 : i32
        %dma_wait3A_81 = tpu.memref_slice %arg2[%dma_wait3A_80, %mul3A_4] : memref<600x128xf32, #tpu.memory_space<hbm>> -> memref<600x16xf32, #tpu.memory_space<hbm>>
        tpu.wait_dma2 semaphore(%run_scoped3A : memref<!tpu.dma_semaphore, #tpu.memory_space<semaphore_mem>>) src(%dma_wait3A_81 : memref<600x16xf32, #tpu.memory_space<hbm>>) dst(%dma_wait3A_79 : memref<600x16xf32, #tpu.memory_space<vmem>>)
        tpu.yield
      }) : () -> ()
      "tpu.region"() ({
        %run_scoped3A = tpu.sem_alloc : memref<!tpu.dma_semaphore, #tpu.memory_space<semaphore_mem>>
        %dma_start3A = arith.constant 0 : i32
        %dma_start3A_64 = tpu.memref_slice %arg3[%dma_start3A, %mul3A_4] : memref<600x128xi32, #tpu.memory_space<hbm>> -> memref<600x16xi32, #tpu.memory_space<hbm>>
        %dma_start3A_65 = arith.constant 0 : i32
        %dma_start3A_66 = tpu.memref_slice %arg3[%dma_start3A_65, %mul3A_4] : memref<600x128xi32, #tpu.memory_space<hbm>> -> memref<600x16xi32, #tpu.memory_space<hbm>>
        tpu.enqueue_dma source(%dma_start3A_66 : memref<600x16xi32, #tpu.memory_space<hbm>>) target(%arg7 : memref<600x16xi32, #tpu.memory_space<vmem>>) target_semaphore(%run_scoped3A : memref<!tpu.dma_semaphore, #tpu.memory_space<semaphore_mem>>)
        %dma_wait3A = arith.constant 0 : i32
        %dma_wait3A_67 = tpu.memref_slice %arg3[%dma_wait3A, %mul3A_4] : memref<600x128xi32, #tpu.memory_space<hbm>> -> memref<600x16xi32, #tpu.memory_space<hbm>>
        %dma_wait3A_68 = arith.constant 0 : i32
        %dma_wait3A_69 = tpu.memref_slice %arg3[%dma_wait3A_68, %mul3A_4] : memref<600x128xi32, #tpu.memory_space<hbm>> -> memref<600x16xi32, #tpu.memory_space<hbm>>
        tpu.wait_dma2 semaphore(%run_scoped3A : memref<!tpu.dma_semaphore, #tpu.memory_space<semaphore_mem>>) src(%dma_wait3A_69 : memref<600x16xi32, #tpu.memory_space<hbm>>) dst(%arg7 : memref<600x16xi32, #tpu.memory_space<vmem>>)
        tpu.yield
      }) : () -> ()
      %iota3A = tpu.iota {dimensions = array<i32: 0>} : vector<16xi32>
      %scan3A = arith.constant 0 : i32
      %scan3A_51 = arith.constant 0 : i32
      %scan3A_52 = arith.constant 38 : i32
      %scan3A_53 = arith.addi %scan3A_51, %scan3A_52 : i32
      %scan3A_54 = arith.constant 1 : i32
      %scan3A_55 = scf.for %scan3A_64 = %scan3A_51 to %scan3A_53 step %scan3A_54 iter_args(%scan3A_65 = %scan3A) -> (i32)  : i32 {
        %broadcast_in_dim3A_66 = arith.constant 0xFF800000 : f32
        %broadcast_in_dim3A_67 = vector.broadcast %broadcast_in_dim3A_66 : f32 to vector<16xf32>
        %mul3A_68 = arith.constant 16 : i32
        %mul3A_69 = arith.muli %scan3A_64, %mul3A_68 : i32
        %add3A_70 = arith.constant 0 : i32
        %add3A_71 = arith.addi %mul3A_69, %add3A_70 : i32
        %get3A = arith.index_cast %add3A_71 : i32 to index
        %get3A_72 = arith.constant 0 : index
        %get3A_73 = tpu.vector_load %arg6[%get3A, %get3A_72] {strides = array<i32>} : memref<608x16xf32, #tpu.memory_space<vmem>>, vector<16xf32>,
        %max3A = arith.maximumf %broadcast_in_dim3A_67, %get3A_73 : vector<16xf32>
        %mul3A_74 = arith.constant 16 : i32
        %mul3A_75 = arith.muli %scan3A_64, %mul3A_74 : i32
        %add3A_76 = arith.constant 1 : i32
        %add3A_77 = arith.addi %mul3A_75, %add3A_76 : i32
        %get3A_78 = arith.index_cast %add3A_77 : i32 to index
        %get3A_79 = arith.constant 0 : index
        %get3A_80 = tpu.vector_load %arg6[%get3A_78, %get3A_79] {strides = array<i32>} : memref<608x16xf32, #tpu.memory_space<vmem>>, vector<16xf32>,
        %max3A_81 = arith.maximumf %max3A, %get3A_80 : vector<16xf32>
        %mul3A_82 = arith.constant 16 : i32
        %mul3A_83 = arith.muli %scan3A_64, %mul3A_82 : i32
        %add3A_84 = arith.constant 2 : i32
        %add3A_85 = arith.addi %mul3A_83, %add3A_84 : i32
        %get3A_86 = arith.index_cast %add3A_85 : i32 to index
        %get3A_87 = arith.constant 0 : index
        %get3A_88 = tpu.vector_load %arg6[%get3A_86, %get3A_87] {strides = array<i32>} : memref<608x16xf32, #tpu.memory_space<vmem>>, vector<16xf32>,
        %max3A_89 = arith.maximumf %max3A_81, %get3A_88 : vector<16xf32>
        %mul3A_90 = arith.constant 16 : i32
        %mul3A_91 = arith.muli %scan3A_64, %mul3A_90 : i32
        %add3A_92 = arith.constant 3 : i32
        %add3A_93 = arith.addi %mul3A_91, %add3A_92 : i32
        %get3A_94 = arith.index_cast %add3A_93 : i32 to index
        %get3A_95 = arith.constant 0 : index
        %get3A_96 = tpu.vector_load %arg6[%get3A_94, %get3A_95] {strides = array<i32>} : memref<608x16xf32, #tpu.memory_space<vmem>>, vector<16xf32>,
        %max3A_97 = arith.maximumf %max3A_89, %get3A_96 : vector<16xf32>
        %mul3A_98 = arith.constant 16 : i32
        %mul3A_99 = arith.muli %scan3A_64, %mul3A_98 : i32
        %add3A_100 = arith.constant 4 : i32
        %add3A_101 = arith.addi %mul3A_99, %add3A_100 : i32
        %get3A_102 = arith.index_cast %add3A_101 : i32 to index
        %get3A_103 = arith.constant 0 : index
        %get3A_104 = tpu.vector_load %arg6[%get3A_102, %get3A_103] {strides = array<i32>} : memref<608x16xf32, #tpu.memory_space<vmem>>, vector<16xf32>,
        %max3A_105 = arith.maximumf %max3A_97, %get3A_104 : vector<16xf32>
        %mul3A_106 = arith.constant 16 : i32
        %mul3A_107 = arith.muli %scan3A_64, %mul3A_106 : i32
        %add3A_108 = arith.constant 5 : i32
        %add3A_109 = arith.addi %mul3A_107, %add3A_108 : i32
        %get3A_110 = arith.index_cast %add3A_109 : i32 to index
        %get3A_111 = arith.constant 0 : index
        %get3A_112 = tpu.vector_load %arg6[%get3A_110, %get3A_111] {strides = array<i32>} : memref<608x16xf32, #tpu.memory_space<vmem>>, vector<16xf32>,
        %max3A_113 = arith.maximumf %max3A_105, %get3A_112 : vector<16xf32>
        %mul3A_114 = arith.constant 16 : i32
        %mul3A_115 = arith.muli %scan3A_64, %mul3A_114 : i32
        %add3A_116 = arith.constant 6 : i32
        %add3A_117 = arith.addi %mul3A_115, %add3A_116 : i32
        %get3A_118 = arith.index_cast %add3A_117 : i32 to index
        %get3A_119 = arith.constant 0 : index
        %get3A_120 = tpu.vector_load %arg6[%get3A_118, %get3A_119] {strides = array<i32>} : memref<608x16xf32, #tpu.memory_space<vmem>>, vector<16xf32>,
        %max3A_121 = arith.maximumf %max3A_113, %get3A_120 : vector<16xf32>
        %mul3A_122 = arith.constant 16 : i32
        %mul3A_123 = arith.muli %scan3A_64, %mul3A_122 : i32
        %add3A_124 = arith.constant 7 : i32
        %add3A_125 = arith.addi %mul3A_123, %add3A_124 : i32
        %get3A_126 = arith.index_cast %add3A_125 : i32 to index
        %get3A_127 = arith.constant 0 : index
        %get3A_128 = tpu.vector_load %arg6[%get3A_126, %get3A_127] {strides = array<i32>} : memref<608x16xf32, #tpu.memory_space<vmem>>, vector<16xf32>,
        %max3A_129 = arith.maximumf %max3A_121, %get3A_128 : vector<16xf32>
        %mul3A_130 = arith.constant 16 : i32
        %mul3A_131 = arith.muli %scan3A_64, %mul3A_130 : i32
        %add3A_132 = arith.constant 8 : i32
        %add3A_133 = arith.addi %mul3A_131, %add3A_132 : i32
        %get3A_134 = arith.index_cast %add3A_133 : i32 to index
        %get3A_135 = arith.constant 0 : index
        %get3A_136 = tpu.vector_load %arg6[%get3A_134, %get3A_135] {strides = array<i32>} : memref<608x16xf32, #tpu.memory_space<vmem>>, vector<16xf32>,
        %max3A_137 = arith.maximumf %max3A_129, %get3A_136 : vector<16xf32>
        %mul3A_138 = arith.constant 16 : i32
        %mul3A_139 = arith.muli %scan3A_64, %mul3A_138 : i32
        %add3A_140 = arith.constant 9 : i32
        %add3A_141 = arith.addi %mul3A_139, %add3A_140 : i32
        %get3A_142 = arith.index_cast %add3A_141 : i32 to index
        %get3A_143 = arith.constant 0 : index
        %get3A_144 = tpu.vector_load %arg6[%get3A_142, %get3A_143] {strides = array<i32>} : memref<608x16xf32, #tpu.memory_space<vmem>>, vector<16xf32>,
        %max3A_145 = arith.maximumf %max3A_137, %get3A_144 : vector<16xf32>
        %mul3A_146 = arith.constant 16 : i32
        %mul3A_147 = arith.muli %scan3A_64, %mul3A_146 : i32
        %add3A_148 = arith.constant 10 : i32
        %add3A_149 = arith.addi %mul3A_147, %add3A_148 : i32
        %get3A_150 = arith.index_cast %add3A_149 : i32 to index
        %get3A_151 = arith.constant 0 : index
        %get3A_152 = tpu.vector_load %arg6[%get3A_150, %get3A_151] {strides = array<i32>} : memref<608x16xf32, #tpu.memory_space<vmem>>, vector<16xf32>,
        %max3A_153 = arith.maximumf %max3A_145, %get3A_152 : vector<16xf32>
        %mul3A_154 = arith.constant 16 : i32
        %mul3A_155 = arith.muli %scan3A_64, %mul3A_154 : i32
        %add3A_156 = arith.constant 11 : i32
        %add3A_157 = arith.addi %mul3A_155, %add3A_156 : i32
        %get3A_158 = arith.index_cast %add3A_157 : i32 to index
        %get3A_159 = arith.constant 0 : index
        %get3A_160 = tpu.vector_load %arg6[%get3A_158, %get3A_159] {strides = array<i32>} : memref<608x16xf32, #tpu.memory_space<vmem>>, vector<16xf32>,
        %max3A_161 = arith.maximumf %max3A_153, %get3A_160 : vector<16xf32>
        %mul3A_162 = arith.constant 16 : i32
        %mul3A_163 = arith.muli %scan3A_64, %mul3A_162 : i32
        %add3A_164 = arith.constant 12 : i32
        %add3A_165 = arith.addi %mul3A_163, %add3A_164 : i32
        %get3A_166 = arith.index_cast %add3A_165 : i32 to index
        %get3A_167 = arith.constant 0 : index
        %get3A_168 = tpu.vector_load %arg6[%get3A_166, %get3A_167] {strides = array<i32>} : memref<608x16xf32, #tpu.memory_space<vmem>>, vector<16xf32>,
        %max3A_169 = arith.maximumf %max3A_161, %get3A_168 : vector<16xf32>
        %mul3A_170 = arith.constant 16 : i32
        %mul3A_171 = arith.muli %scan3A_64, %mul3A_170 : i32
        %add3A_172 = arith.constant 13 : i32
        %add3A_173 = arith.addi %mul3A_171, %add3A_172 : i32
        %get3A_174 = arith.index_cast %add3A_173 : i32 to index
        %get3A_175 = arith.constant 0 : index
        %get3A_176 = tpu.vector_load %arg6[%get3A_174, %get3A_175] {strides = array<i32>} : memref<608x16xf32, #tpu.memory_space<vmem>>, vector<16xf32>,
        %max3A_177 = arith.maximumf %max3A_169, %get3A_176 : vector<16xf32>
        %mul3A_178 = arith.constant 16 : i32
        %mul3A_179 = arith.muli %scan3A_64, %mul3A_178 : i32
        %add3A_180 = arith.constant 14 : i32
        %add3A_181 = arith.addi %mul3A_179, %add3A_180 : i32
        %get3A_182 = arith.index_cast %add3A_181 : i32 to index
        %get3A_183 = arith.constant 0 : index
        %get3A_184 = tpu.vector_load %arg6[%get3A_182, %get3A_183] {strides = array<i32>} : memref<608x16xf32, #tpu.memory_space<vmem>>, vector<16xf32>,
        %max3A_185 = arith.maximumf %max3A_177, %get3A_184 : vector<16xf32>
        %mul3A_186 = arith.constant 16 : i32
        %mul3A_187 = arith.muli %scan3A_64, %mul3A_186 : i32
        %add3A_188 = arith.constant 15 : i32
        %add3A_189 = arith.addi %mul3A_187, %add3A_188 : i32
        %get3A_190 = arith.index_cast %add3A_189 : i32 to index
        %get3A_191 = arith.constant 0 : index
        %get3A_192 = tpu.vector_load %arg6[%get3A_190, %get3A_191] {strides = array<i32>} : memref<608x16xf32, #tpu.memory_space<vmem>>, vector<16xf32>,
        %max3A_193 = arith.maximumf %max3A_185, %get3A_192 : vector<16xf32>
        %swap3A_194 = arith.index_cast %scan3A_64 : i32 to index
        %swap3A_195 = arith.constant 0 : index
        %swap3A_196 = tpu.vector_load %arg8[%swap3A_194, %swap3A_195] {strides = array<i32>} : memref<38x16xf32, #tpu.memory_space<vmem>>, vector<16xf32>,
        tpu.vector_store %arg8[%swap3A_194, %swap3A_195], %max3A_193 {strides = array<i32>} : memref<38x16xf32, #tpu.memory_space<vmem>>, vector<16xf32>,
        %scan3A_197 = arith.constant 0 : i32
        scf.yield %scan3A_197 : i32
      }
      %scan3A_56 = arith.constant 38 : i32
      %scan3A_57 = arith.constant 0 : i32
      %scan3A_58 = arith.constant 0 : i32
      %scan3A_59 = arith.constant 20 : i32
      %scan3A_60 = arith.addi %scan3A_58, %scan3A_59 : i32
      %scan3A_61 = arith.constant 1 : i32
      %scan3A_62 = scf.for %scan3A_64 = %scan3A_58 to %scan3A_60 step %scan3A_61 iter_args(%scan3A_65 = %scan3A_57) -> (i32)  : i32 {
        %broadcast_in_dim3A_66 = arith.constant 0xFF800000 : f32
        %broadcast_in_dim3A_67 = vector.broadcast %broadcast_in_dim3A_66 : f32 to vector<16xf32>
        %broadcast_in_dim3A_68 = arith.constant 1073741824 : i32
        %broadcast_in_dim3A_69 = vector.broadcast %broadcast_in_dim3A_68 : i32 to vector<16xi32>
        %scan3A_70 = arith.constant 0 : i32
        %scan3A_71 = arith.constant 38 : i32
        %scan3A_72 = arith.addi %scan3A_70, %scan3A_71 : i32
        %scan3A_73 = arith.constant 1 : i32
        %scan3A_74:2 = scf.for %scan3A_327 = %scan3A_70 to %scan3A_72 step %scan3A_73 iter_args(%scan3A_328 = %broadcast_in_dim3A_67, %scan3A_329 = %broadcast_in_dim3A_69) -> (vector<16xf32>, vector<16xi32>)  : i32 {
          %get3A = arith.index_cast %scan3A_327 : i32 to index
          %get3A_330 = arith.constant 0 : index
          %get3A_331 = tpu.vector_load %arg8[%get3A, %get3A_330] {strides = array<i32>} : memref<38x16xf32, #tpu.memory_space<vmem>>, vector<16xf32>,
          %gt3A = arith.cmpf ogt, %get3A_331, %scan3A_328 : vector<16xf32>
          %select_n3A_332 = arith.select %gt3A, %get3A_331, %scan3A_328 : vector<16xi1>, vector<16xf32>
          %broadcast_in_dim3A_333 = vector.broadcast %scan3A_327 : i32 to vector<16xi32>
          %select_n3A_334 = arith.select %gt3A, %broadcast_in_dim3A_333, %scan3A_329 : vector<16xi1>, vector<16xi32>
          scf.yield %select_n3A_332, %select_n3A_334 : vector<16xf32>, vector<16xi32>
        }
        %scan3A_75 = arith.constant 38 : i32
        %mul3A_76 = arith.constant 16 : i32
        %mul3A_77 = vector.broadcast %mul3A_76 : i32 to vector<16xi32>
        %mul3A_78 = arith.muli %scan3A_74#1, %mul3A_77 : vector<16xi32>
        %broadcast_in_dim3A_79 = arith.constant 1073741824 : i32
        %broadcast_in_dim3A_80 = vector.broadcast %broadcast_in_dim3A_79 : i32 to vector<16xi32>
        %add3A_81 = arith.constant 0 : i32
        %add3A_82 = vector.broadcast %add3A_81 : i32 to vector<16xi32>
        %add3A_83 = arith.addi %mul3A_78, %add3A_82 : vector<16xi32>
        %gather3A = tpu.vector_load_idx %arg6[%add3A_83, %iota3A] : memref<608x16xf32, #tpu.memory_space<vmem>>[vector<16xi32>, vector<16xi32>], vector<16xf32>,
        %eq3A = arith.cmpf oeq, %gather3A, %scan3A_74#0 : vector<16xf32>
        %eq3A_84 = arith.constant 1073741824 : i32
        %eq3A_85 = vector.broadcast %eq3A_84 : i32 to vector<16xi32>
        %eq3A_86 = arith.cmpi eq, %broadcast_in_dim3A_80, %eq3A_85 : vector<16xi32>
        %and3A = arith.andi %eq3A, %eq3A_86 : vector<16xi1>
        %select_n3A = arith.select %and3A, %add3A_83, %broadcast_in_dim3A_80 : vector<16xi1>, vector<16xi32>
        %add3A_87 = arith.constant 1 : i32
        %add3A_88 = vector.broadcast %add3A_87 : i32 to vector<16xi32>
        %add3A_89 = arith.addi %mul3A_78, %add3A_88 : vector<16xi32>
        %gather3A_90 = tpu.vector_load_idx %arg6[%add3A_89, %iota3A] : memref<608x16xf32, #tpu.memory_space<vmem>>[vector<16xi32>, vector<16xi32>], vector<16xf32>,
        %eq3A_91 = arith.cmpf oeq, %gather3A_90, %scan3A_74#0 : vector<16xf32>
        %eq3A_92 = arith.constant 1073741824 : i32
        %eq3A_93 = vector.broadcast %eq3A_92 : i32 to vector<16xi32>
        %eq3A_94 = arith.cmpi eq, %select_n3A, %eq3A_93 : vector<16xi32>
        %and3A_95 = arith.andi %eq3A_91, %eq3A_94 : vector<16xi1>
        %select_n3A_96 = arith.select %and3A_95, %add3A_89, %select_n3A : vector<16xi1>, vector<16xi32>
        %add3A_97 = arith.constant 2 : i32
        %add3A_98 = vector.broadcast %add3A_97 : i32 to vector<16xi32>
        %add3A_99 = arith.addi %mul3A_78, %add3A_98 : vector<16xi32>
        %gather3A_100 = tpu.vector_load_idx %arg6[%add3A_99, %iota3A] : memref<608x16xf32, #tpu.memory_space<vmem>>[vector<16xi32>, vector<16xi32>], vector<16xf32>,
        %eq3A_101 = arith.cmpf oeq, %gather3A_100, %scan3A_74#0 : vector<16xf32>
        %eq3A_102 = arith.constant 1073741824 : i32
        %eq3A_103 = vector.broadcast %eq3A_102 : i32 to vector<16xi32>
        %eq3A_104 = arith.cmpi eq, %select_n3A_96, %eq3A_103 : vector<16xi32>
        %and3A_105 = arith.andi %eq3A_101, %eq3A_104 : vector<16xi1>
        %select_n3A_106 = arith.select %and3A_105, %add3A_99, %select_n3A_96 : vector<16xi1>, vector<16xi32>
        %add3A_107 = arith.constant 3 : i32
        %add3A_108 = vector.broadcast %add3A_107 : i32 to vector<16xi32>
        %add3A_109 = arith.addi %mul3A_78, %add3A_108 : vector<16xi32>
        %gather3A_110 = tpu.vector_load_idx %arg6[%add3A_109, %iota3A] : memref<608x16xf32, #tpu.memory_space<vmem>>[vector<16xi32>, vector<16xi32>], vector<16xf32>,
        %eq3A_111 = arith.cmpf oeq, %gather3A_110, %scan3A_74#0 : vector<16xf32>
        %eq3A_112 = arith.constant 1073741824 : i32
        %eq3A_113 = vector.broadcast %eq3A_112 : i32 to vector<16xi32>
        %eq3A_114 = arith.cmpi eq, %select_n3A_106, %eq3A_113 : vector<16xi32>
        %and3A_115 = arith.andi %eq3A_111, %eq3A_114 : vector<16xi1>
        %select_n3A_116 = arith.select %and3A_115, %add3A_109, %select_n3A_106 : vector<16xi1>, vector<16xi32>
        %add3A_117 = arith.constant 4 : i32
        %add3A_118 = vector.broadcast %add3A_117 : i32 to vector<16xi32>
        %add3A_119 = arith.addi %mul3A_78, %add3A_118 : vector<16xi32>
        %gather3A_120 = tpu.vector_load_idx %arg6[%add3A_119, %iota3A] : memref<608x16xf32, #tpu.memory_space<vmem>>[vector<16xi32>, vector<16xi32>], vector<16xf32>,
        %eq3A_121 = arith.cmpf oeq, %gather3A_120, %scan3A_74#0 : vector<16xf32>
        %eq3A_122 = arith.constant 1073741824 : i32
        %eq3A_123 = vector.broadcast %eq3A_122 : i32 to vector<16xi32>
        %eq3A_124 = arith.cmpi eq, %select_n3A_116, %eq3A_123 : vector<16xi32>
        %and3A_125 = arith.andi %eq3A_121, %eq3A_124 : vector<16xi1>
        %select_n3A_126 = arith.select %and3A_125, %add3A_119, %select_n3A_116 : vector<16xi1>, vector<16xi32>
        %add3A_127 = arith.constant 5 : i32
        %add3A_128 = vector.broadcast %add3A_127 : i32 to vector<16xi32>
        %add3A_129 = arith.addi %mul3A_78, %add3A_128 : vector<16xi32>
        %gather3A_130 = tpu.vector_load_idx %arg6[%add3A_129, %iota3A] : memref<608x16xf32, #tpu.memory_space<vmem>>[vector<16xi32>, vector<16xi32>], vector<16xf32>,
        %eq3A_131 = arith.cmpf oeq, %gather3A_130, %scan3A_74#0 : vector<16xf32>
        %eq3A_132 = arith.constant 1073741824 : i32
        %eq3A_133 = vector.broadcast %eq3A_132 : i32 to vector<16xi32>
        %eq3A_134 = arith.cmpi eq, %select_n3A_126, %eq3A_133 : vector<16xi32>
        %and3A_135 = arith.andi %eq3A_131, %eq3A_134 : vector<16xi1>
        %select_n3A_136 = arith.select %and3A_135, %add3A_129, %select_n3A_126 : vector<16xi1>, vector<16xi32>
        %add3A_137 = arith.constant 6 : i32
        %add3A_138 = vector.broadcast %add3A_137 : i32 to vector<16xi32>
        %add3A_139 = arith.addi %mul3A_78, %add3A_138 : vector<16xi32>
        %gather3A_140 = tpu.vector_load_idx %arg6[%add3A_139, %iota3A] : memref<608x16xf32, #tpu.memory_space<vmem>>[vector<16xi32>, vector<16xi32>], vector<16xf32>,
        %eq3A_141 = arith.cmpf oeq, %gather3A_140, %scan3A_74#0 : vector<16xf32>
        %eq3A_142 = arith.constant 1073741824 : i32
        %eq3A_143 = vector.broadcast %eq3A_142 : i32 to vector<16xi32>
        %eq3A_144 = arith.cmpi eq, %select_n3A_136, %eq3A_143 : vector<16xi32>
        %and3A_145 = arith.andi %eq3A_141, %eq3A_144 : vector<16xi1>
        %select_n3A_146 = arith.select %and3A_145, %add3A_139, %select_n3A_136 : vector<16xi1>, vector<16xi32>
        %add3A_147 = arith.constant 7 : i32
        %add3A_148 = vector.broadcast %add3A_147 : i32 to vector<16xi32>
        %add3A_149 = arith.addi %mul3A_78, %add3A_148 : vector<16xi32>
        %gather3A_150 = tpu.vector_load_idx %arg6[%add3A_149, %iota3A] : memref<608x16xf32, #tpu.memory_space<vmem>>[vector<16xi32>, vector<16xi32>], vector<16xf32>,
        %eq3A_151 = arith.cmpf oeq, %gather3A_150, %scan3A_74#0 : vector<16xf32>
        %eq3A_152 = arith.constant 1073741824 : i32
        %eq3A_153 = vector.broadcast %eq3A_152 : i32 to vector<16xi32>
        %eq3A_154 = arith.cmpi eq, %select_n3A_146, %eq3A_153 : vector<16xi32>
        %and3A_155 = arith.andi %eq3A_151, %eq3A_154 : vector<16xi1>
        %select_n3A_156 = arith.select %and3A_155, %add3A_149, %select_n3A_146 : vector<16xi1>, vector<16xi32>
        %add3A_157 = arith.constant 8 : i32
        %add3A_158 = vector.broadcast %add3A_157 : i32 to vector<16xi32>
        %add3A_159 = arith.addi %mul3A_78, %add3A_158 : vector<16xi32>
        %gather3A_160 = tpu.vector_load_idx %arg6[%add3A_159, %iota3A] : memref<608x16xf32, #tpu.memory_space<vmem>>[vector<16xi32>, vector<16xi32>], vector<16xf32>,
        %eq3A_161 = arith.cmpf oeq, %gather3A_160, %scan3A_74#0 : vector<16xf32>
        %eq3A_162 = arith.constant 1073741824 : i32
        %eq3A_163 = vector.broadcast %eq3A_162 : i32 to vector<16xi32>
        %eq3A_164 = arith.cmpi eq, %select_n3A_156, %eq3A_163 : vector<16xi32>
        %and3A_165 = arith.andi %eq3A_161, %eq3A_164 : vector<16xi1>
        %select_n3A_166 = arith.select %and3A_165, %add3A_159, %select_n3A_156 : vector<16xi1>, vector<16xi32>
        %add3A_167 = arith.constant 9 : i32
        %add3A_168 = vector.broadcast %add3A_167 : i32 to vector<16xi32>
        %add3A_169 = arith.addi %mul3A_78, %add3A_168 : vector<16xi32>
        %gather3A_170 = tpu.vector_load_idx %arg6[%add3A_169, %iota3A] : memref<608x16xf32, #tpu.memory_space<vmem>>[vector<16xi32>, vector<16xi32>], vector<16xf32>,
        %eq3A_171 = arith.cmpf oeq, %gather3A_170, %scan3A_74#0 : vector<16xf32>
        %eq3A_172 = arith.constant 1073741824 : i32
        %eq3A_173 = vector.broadcast %eq3A_172 : i32 to vector<16xi32>
        %eq3A_174 = arith.cmpi eq, %select_n3A_166, %eq3A_173 : vector<16xi32>
        %and3A_175 = arith.andi %eq3A_171, %eq3A_174 : vector<16xi1>
        %select_n3A_176 = arith.select %and3A_175, %add3A_169, %select_n3A_166 : vector<16xi1>, vector<16xi32>
        %add3A_177 = arith.constant 10 : i32
        %add3A_178 = vector.broadcast %add3A_177 : i32 to vector<16xi32>
        %add3A_179 = arith.addi %mul3A_78, %add3A_178 : vector<16xi32>
        %gather3A_180 = tpu.vector_load_idx %arg6[%add3A_179, %iota3A] : memref<608x16xf32, #tpu.memory_space<vmem>>[vector<16xi32>, vector<16xi32>], vector<16xf32>,
        %eq3A_181 = arith.cmpf oeq, %gather3A_180, %scan3A_74#0 : vector<16xf32>
        %eq3A_182 = arith.constant 1073741824 : i32
        %eq3A_183 = vector.broadcast %eq3A_182 : i32 to vector<16xi32>
        %eq3A_184 = arith.cmpi eq, %select_n3A_176, %eq3A_183 : vector<16xi32>
        %and3A_185 = arith.andi %eq3A_181, %eq3A_184 : vector<16xi1>
        %select_n3A_186 = arith.select %and3A_185, %add3A_179, %select_n3A_176 : vector<16xi1>, vector<16xi32>
        %add3A_187 = arith.constant 11 : i32
        %add3A_188 = vector.broadcast %add3A_187 : i32 to vector<16xi32>
        %add3A_189 = arith.addi %mul3A_78, %add3A_188 : vector<16xi32>
        %gather3A_190 = tpu.vector_load_idx %arg6[%add3A_189, %iota3A] : memref<608x16xf32, #tpu.memory_space<vmem>>[vector<16xi32>, vector<16xi32>], vector<16xf32>,
        %eq3A_191 = arith.cmpf oeq, %gather3A_190, %scan3A_74#0 : vector<16xf32>
        %eq3A_192 = arith.constant 1073741824 : i32
        %eq3A_193 = vector.broadcast %eq3A_192 : i32 to vector<16xi32>
        %eq3A_194 = arith.cmpi eq, %select_n3A_186, %eq3A_193 : vector<16xi32>
        %and3A_195 = arith.andi %eq3A_191, %eq3A_194 : vector<16xi1>
        %select_n3A_196 = arith.select %and3A_195, %add3A_189, %select_n3A_186 : vector<16xi1>, vector<16xi32>
        %add3A_197 = arith.constant 12 : i32
        %add3A_198 = vector.broadcast %add3A_197 : i32 to vector<16xi32>
        %add3A_199 = arith.addi %mul3A_78, %add3A_198 : vector<16xi32>
        %gather3A_200 = tpu.vector_load_idx %arg6[%add3A_199, %iota3A] : memref<608x16xf32, #tpu.memory_space<vmem>>[vector<16xi32>, vector<16xi32>], vector<16xf32>,
        %eq3A_201 = arith.cmpf oeq, %gather3A_200, %scan3A_74#0 : vector<16xf32>
        %eq3A_202 = arith.constant 1073741824 : i32
        %eq3A_203 = vector.broadcast %eq3A_202 : i32 to vector<16xi32>
        %eq3A_204 = arith.cmpi eq, %select_n3A_196, %eq3A_203 : vector<16xi32>
        %and3A_205 = arith.andi %eq3A_201, %eq3A_204 : vector<16xi1>
        %select_n3A_206 = arith.select %and3A_205, %add3A_199, %select_n3A_196 : vector<16xi1>, vector<16xi32>
        %add3A_207 = arith.constant 13 : i32
        %add3A_208 = vector.broadcast %add3A_207 : i32 to vector<16xi32>
        %add3A_209 = arith.addi %mul3A_78, %add3A_208 : vector<16xi32>
        %gather3A_210 = tpu.vector_load_idx %arg6[%add3A_209, %iota3A] : memref<608x16xf32, #tpu.memory_space<vmem>>[vector<16xi32>, vector<16xi32>], vector<16xf32>,
        %eq3A_211 = arith.cmpf oeq, %gather3A_210, %scan3A_74#0 : vector<16xf32>
        %eq3A_212 = arith.constant 1073741824 : i32
        %eq3A_213 = vector.broadcast %eq3A_212 : i32 to vector<16xi32>
        %eq3A_214 = arith.cmpi eq, %select_n3A_206, %eq3A_213 : vector<16xi32>
        %and3A_215 = arith.andi %eq3A_211, %eq3A_214 : vector<16xi1>
        %select_n3A_216 = arith.select %and3A_215, %add3A_209, %select_n3A_206 : vector<16xi1>, vector<16xi32>
        %add3A_217 = arith.constant 14 : i32
        %add3A_218 = vector.broadcast %add3A_217 : i32 to vector<16xi32>
        %add3A_219 = arith.addi %mul3A_78, %add3A_218 : vector<16xi32>
        %gather3A_220 = tpu.vector_load_idx %arg6[%add3A_219, %iota3A] : memref<608x16xf32, #tpu.memory_space<vmem>>[vector<16xi32>, vector<16xi32>], vector<16xf32>,
        %eq3A_221 = arith.cmpf oeq, %gather3A_220, %scan3A_74#0 : vector<16xf32>
        %eq3A_222 = arith.constant 1073741824 : i32
        %eq3A_223 = vector.broadcast %eq3A_222 : i32 to vector<16xi32>
        %eq3A_224 = arith.cmpi eq, %select_n3A_216, %eq3A_223 : vector<16xi32>
        %and3A_225 = arith.andi %eq3A_221, %eq3A_224 : vector<16xi1>
        %select_n3A_226 = arith.select %and3A_225, %add3A_219, %select_n3A_216 : vector<16xi1>, vector<16xi32>
        %add3A_227 = arith.constant 15 : i32
        %add3A_228 = vector.broadcast %add3A_227 : i32 to vector<16xi32>
        %add3A_229 = arith.addi %mul3A_78, %add3A_228 : vector<16xi32>
        %gather3A_230 = tpu.vector_load_idx %arg6[%add3A_229, %iota3A] : memref<608x16xf32, #tpu.memory_space<vmem>>[vector<16xi32>, vector<16xi32>], vector<16xf32>,
        %eq3A_231 = arith.cmpf oeq, %gather3A_230, %scan3A_74#0 : vector<16xf32>
        %eq3A_232 = arith.constant 1073741824 : i32
        %eq3A_233 = vector.broadcast %eq3A_232 : i32 to vector<16xi32>
        %eq3A_234 = arith.cmpi eq, %select_n3A_226, %eq3A_233 : vector<16xi32>
        %and3A_235 = arith.andi %eq3A_231, %eq3A_234 : vector<16xi1>
        %select_n3A_236 = arith.select %and3A_235, %add3A_229, %select_n3A_226 : vector<16xi1>, vector<16xi32>
        %broadcast_in_dim3A_237 = arith.constant 0xFF800000 : f32
        %broadcast_in_dim3A_238 = vector.broadcast %broadcast_in_dim3A_237 : f32 to vector<16xf32>
        %eq3A_239 = arith.cmpi eq, %add3A_83, %select_n3A_236 : vector<16xi32>
        %jit3A = arith.constant 0xFF800000 : f32
        %broadcast_in_dim3A_240 = vector.broadcast %jit3A : f32 to vector<16xf32>
        %select_n3A_241 = arith.select %eq3A_239, %broadcast_in_dim3A_240, %gather3A : vector<16xi1>, vector<16xf32>
        %max3A = arith.maximumf %broadcast_in_dim3A_238, %select_n3A_241 : vector<16xf32>
        %eq3A_242 = arith.cmpi eq, %add3A_89, %select_n3A_236 : vector<16xi32>
        %jit3A_243 = arith.constant 0xFF800000 : f32
        %broadcast_in_dim3A_244 = vector.broadcast %jit3A_243 : f32 to vector<16xf32>
        %select_n3A_245 = arith.select %eq3A_242, %broadcast_in_dim3A_244, %gather3A_90 : vector<16xi1>, vector<16xf32>
        %max3A_246 = arith.maximumf %max3A, %select_n3A_245 : vector<16xf32>
        %eq3A_247 = arith.cmpi eq, %add3A_99, %select_n3A_236 : vector<16xi32>
        %jit3A_248 = arith.constant 0xFF800000 : f32
        %broadcast_in_dim3A_249 = vector.broadcast %jit3A_248 : f32 to vector<16xf32>
        %select_n3A_250 = arith.select %eq3A_247, %broadcast_in_dim3A_249, %gather3A_100 : vector<16xi1>, vector<16xf32>
        %max3A_251 = arith.maximumf %max3A_246, %select_n3A_250 : vector<16xf32>
        %eq3A_252 = arith.cmpi eq, %add3A_109, %select_n3A_236 : vector<16xi32>
        %jit3A_253 = arith.constant 0xFF800000 : f32
        %broadcast_in_dim3A_254 = vector.broadcast %jit3A_253 : f32 to vector<16xf32>
        %select_n3A_255 = arith.select %eq3A_252, %broadcast_in_dim3A_254, %gather3A_110 : vector<16xi1>, vector<16xf32>
        %max3A_256 = arith.maximumf %max3A_251, %select_n3A_255 : vector<16xf32>
        %eq3A_257 = arith.cmpi eq, %add3A_119, %select_n3A_236 : vector<16xi32>
        %jit3A_258 = arith.constant 0xFF800000 : f32
        %broadcast_in_dim3A_259 = vector.broadcast %jit3A_258 : f32 to vector<16xf32>
        %select_n3A_260 = arith.select %eq3A_257, %broadcast_in_dim3A_259, %gather3A_120 : vector<16xi1>, vector<16xf32>
        %max3A_261 = arith.maximumf %max3A_256, %select_n3A_260 : vector<16xf32>
        %eq3A_262 = arith.cmpi eq, %add3A_129, %select_n3A_236 : vector<16xi32>
        %jit3A_263 = arith.constant 0xFF800000 : f32
        %broadcast_in_dim3A_264 = vector.broadcast %jit3A_263 : f32 to vector<16xf32>
        %select_n3A_265 = arith.select %eq3A_262, %broadcast_in_dim3A_264, %gather3A_130 : vector<16xi1>, vector<16xf32>
        %max3A_266 = arith.maximumf %max3A_261, %select_n3A_265 : vector<16xf32>
        %eq3A_267 = arith.cmpi eq, %add3A_139, %select_n3A_236 : vector<16xi32>
        %jit3A_268 = arith.constant 0xFF800000 : f32
        %broadcast_in_dim3A_269 = vector.broadcast %jit3A_268 : f32 to vector<16xf32>
        %select_n3A_270 = arith.select %eq3A_267, %broadcast_in_dim3A_269, %gather3A_140 : vector<16xi1>, vector<16xf32>
        %max3A_271 = arith.maximumf %max3A_266, %select_n3A_270 : vector<16xf32>
        %eq3A_272 = arith.cmpi eq, %add3A_149, %select_n3A_236 : vector<16xi32>
        %jit3A_273 = arith.constant 0xFF800000 : f32
        %broadcast_in_dim3A_274 = vector.broadcast %jit3A_273 : f32 to vector<16xf32>
        %select_n3A_275 = arith.select %eq3A_272, %broadcast_in_dim3A_274, %gather3A_150 : vector<16xi1>, vector<16xf32>
        %max3A_276 = arith.maximumf %max3A_271, %select_n3A_275 : vector<16xf32>
        %eq3A_277 = arith.cmpi eq, %add3A_159, %select_n3A_236 : vector<16xi32>
        %jit3A_278 = arith.constant 0xFF800000 : f32
        %broadcast_in_dim3A_279 = vector.broadcast %jit3A_278 : f32 to vector<16xf32>
        %select_n3A_280 = arith.select %eq3A_277, %broadcast_in_dim3A_279, %gather3A_160 : vector<16xi1>, vector<16xf32>
        %max3A_281 = arith.maximumf %max3A_276, %select_n3A_280 : vector<16xf32>
        %eq3A_282 = arith.cmpi eq, %add3A_169, %select_n3A_236 : vector<16xi32>
        %jit3A_283 = arith.constant 0xFF800000 : f32
        %broadcast_in_dim3A_284 = vector.broadcast %jit3A_283 : f32 to vector<16xf32>
        %select_n3A_285 = arith.select %eq3A_282, %broadcast_in_dim3A_284, %gather3A_170 : vector<16xi1>, vector<16xf32>
        %max3A_286 = arith.maximumf %max3A_281, %select_n3A_285 : vector<16xf32>
        %eq3A_287 = arith.cmpi eq, %add3A_179, %select_n3A_236 : vector<16xi32>
        %jit3A_288 = arith.constant 0xFF800000 : f32
        %broadcast_in_dim3A_289 = vector.broadcast %jit3A_288 : f32 to vector<16xf32>
        %select_n3A_290 = arith.select %eq3A_287, %broadcast_in_dim3A_289, %gather3A_180 : vector<16xi1>, vector<16xf32>
        %max3A_291 = arith.maximumf %max3A_286, %select_n3A_290 : vector<16xf32>
        %eq3A_292 = arith.cmpi eq, %add3A_189, %select_n3A_236 : vector<16xi32>
        %jit3A_293 = arith.constant 0xFF800000 : f32
        %broadcast_in_dim3A_294 = vector.broadcast %jit3A_293 : f32 to vector<16xf32>
        %select_n3A_295 = arith.select %eq3A_292, %broadcast_in_dim3A_294, %gather3A_190 : vector<16xi1>, vector<16xf32>
        %max3A_296 = arith.maximumf %max3A_291, %select_n3A_295 : vector<16xf32>
        %eq3A_297 = arith.cmpi eq, %add3A_199, %select_n3A_236 : vector<16xi32>
        %jit3A_298 = arith.constant 0xFF800000 : f32
        %broadcast_in_dim3A_299 = vector.broadcast %jit3A_298 : f32 to vector<16xf32>
        %select_n3A_300 = arith.select %eq3A_297, %broadcast_in_dim3A_299, %gather3A_200 : vector<16xi1>, vector<16xf32>
        %max3A_301 = arith.maximumf %max3A_296, %select_n3A_300 : vector<16xf32>
        %eq3A_302 = arith.cmpi eq, %add3A_209, %select_n3A_236 : vector<16xi32>
        %jit3A_303 = arith.constant 0xFF800000 : f32
        %broadcast_in_dim3A_304 = vector.broadcast %jit3A_303 : f32 to vector<16xf32>
        %select_n3A_305 = arith.select %eq3A_302, %broadcast_in_dim3A_304, %gather3A_210 : vector<16xi1>, vector<16xf32>
        %max3A_306 = arith.maximumf %max3A_301, %select_n3A_305 : vector<16xf32>
        %eq3A_307 = arith.cmpi eq, %add3A_219, %select_n3A_236 : vector<16xi32>
        %jit3A_308 = arith.constant 0xFF800000 : f32
        %broadcast_in_dim3A_309 = vector.broadcast %jit3A_308 : f32 to vector<16xf32>
        %select_n3A_310 = arith.select %eq3A_307, %broadcast_in_dim3A_309, %gather3A_220 : vector<16xi1>, vector<16xf32>
        %max3A_311 = arith.maximumf %max3A_306, %select_n3A_310 : vector<16xf32>
        %eq3A_312 = arith.cmpi eq, %add3A_229, %select_n3A_236 : vector<16xi32>
        %jit3A_313 = arith.constant 0xFF800000 : f32
        %broadcast_in_dim3A_314 = vector.broadcast %jit3A_313 : f32 to vector<16xf32>
        %select_n3A_315 = arith.select %eq3A_312, %broadcast_in_dim3A_314, %gather3A_230 : vector<16xi1>, vector<16xf32>
        %max3A_316 = arith.maximumf %max3A_311, %select_n3A_315 : vector<16xf32>
        %broadcast_in_dim3A_317 = arith.constant 0xFF800000 : f32
        %broadcast_in_dim3A_318 = vector.broadcast %broadcast_in_dim3A_317 : f32 to vector<16xf32>
        tpu.vector_store_idx %arg6[%select_n3A_236, %iota3A], %broadcast_in_dim3A_318 : memref<608x16xf32, #tpu.memory_space<vmem>>[vector<16xi32>, vector<16xi32>], vector<16xf32>,
        tpu.vector_store_idx %arg8[%scan3A_74#1, %iota3A], %max3A_316 : memref<38x16xf32, #tpu.memory_space<vmem>>[vector<16xi32>, vector<16xi32>], vector<16xf32>,
        %swap3A_319 = arith.index_cast %scan3A_64 : i32 to index
        %swap3A_320 = arith.constant 0 : index
        %swap3A_321 = tpu.vector_load %arg9[%swap3A_319, %swap3A_320] {strides = array<i32>} : memref<20x16xf32, #tpu.memory_space<vmem>>, vector<16xf32>,
        tpu.vector_store %arg9[%swap3A_319, %swap3A_320], %scan3A_74#0 {strides = array<i32>} : memref<20x16xf32, #tpu.memory_space<vmem>>, vector<16xf32>,
        %gather3A_322 = tpu.vector_load_idx %arg7[%select_n3A_236, %iota3A] : memref<600x16xi32, #tpu.memory_space<vmem>>[vector<16xi32>, vector<16xi32>], vector<16xi32>,
        %swap3A_323 = arith.index_cast %scan3A_64 : i32 to index
        %swap3A_324 = arith.constant 0 : index
        %swap3A_325 = tpu.vector_load %arg10[%swap3A_323, %swap3A_324] {strides = array<i32>} : memref<20x16xi32, #tpu.memory_space<vmem>>, vector<16xi32>,
        tpu.vector_store %arg10[%swap3A_323, %swap3A_324], %gather3A_322 {strides = array<i32>} : memref<20x16xi32, #tpu.memory_space<vmem>>, vector<16xi32>,
        %scan3A_326 = arith.constant 0 : i32
        scf.yield %scan3A_326 : i32
      }
      %scan3A_63 = arith.constant 20 : i32
      "tpu.region"() ({
        %run_scoped3A = tpu.sem_alloc : memref<!tpu.dma_semaphore, #tpu.memory_space<semaphore_mem>>
        %dma_start3A = arith.constant 0 : i32
        %dma_start3A_64 = tpu.memref_slice %arg4[%dma_start3A, %mul3A_4] : memref<20x128xf32, #tpu.memory_space<hbm>> -> memref<20x16xf32, #tpu.memory_space<hbm>>
        %dma_start3A_65 = arith.constant 0 : i32
        %dma_start3A_66 = tpu.memref_slice %arg4[%dma_start3A_65, %mul3A_4] : memref<20x128xf32, #tpu.memory_space<hbm>> -> memref<20x16xf32, #tpu.memory_space<hbm>>
        tpu.enqueue_dma source(%arg9 : memref<20x16xf32, #tpu.memory_space<vmem>>) target(%dma_start3A_66 : memref<20x16xf32, #tpu.memory_space<hbm>>) target_semaphore(%run_scoped3A : memref<!tpu.dma_semaphore, #tpu.memory_space<semaphore_mem>>)
        %dma_wait3A = arith.constant 0 : i32
        %dma_wait3A_67 = tpu.memref_slice %arg4[%dma_wait3A, %mul3A_4] : memref<20x128xf32, #tpu.memory_space<hbm>> -> memref<20x16xf32, #tpu.memory_space<hbm>>
        %dma_wait3A_68 = arith.constant 0 : i32
        %dma_wait3A_69 = tpu.memref_slice %arg4[%dma_wait3A_68, %mul3A_4] : memref<20x128xf32, #tpu.memory_space<hbm>> -> memref<20x16xf32, #tpu.memory_space<hbm>>
        tpu.wait_dma2 semaphore(%run_scoped3A : memref<!tpu.dma_semaphore, #tpu.memory_space<semaphore_mem>>) src(%arg9 : memref<20x16xf32, #tpu.memory_space<vmem>>) dst(%dma_wait3A_69 : memref<20x16xf32, #tpu.memory_space<hbm>>)
        tpu.yield
      }) : () -> ()
      "tpu.region"() ({
        %run_scoped3A = tpu.sem_alloc : memref<!tpu.dma_semaphore, #tpu.memory_space<semaphore_mem>>
        %dma_start3A = arith.constant 0 : i32
        %dma_start3A_64 = tpu.memref_slice %arg5[%dma_start3A, %mul3A_4] : memref<20x128xi32, #tpu.memory_space<hbm>> -> memref<20x16xi32, #tpu.memory_space<hbm>>
        %dma_start3A_65 = arith.constant 0 : i32
        %dma_start3A_66 = tpu.memref_slice %arg5[%dma_start3A_65, %mul3A_4] : memref<20x128xi32, #tpu.memory_space<hbm>> -> memref<20x16xi32, #tpu.memory_space<hbm>>
        tpu.enqueue_dma source(%arg10 : memref<20x16xi32, #tpu.memory_space<vmem>>) target(%dma_start3A_66 : memref<20x16xi32, #tpu.memory_space<hbm>>) target_semaphore(%run_scoped3A : memref<!tpu.dma_semaphore, #tpu.memory_space<semaphore_mem>>)
        %dma_wait3A = arith.constant 0 : i32
        %dma_wait3A_67 = tpu.memref_slice %arg5[%dma_wait3A, %mul3A_4] : memref<20x128xi32, #tpu.memory_space<hbm>> -> memref<20x16xi32, #tpu.memory_space<hbm>>
        %dma_wait3A_68 = arith.constant 0 : i32
        %dma_wait3A_69 = tpu.memref_slice %arg5[%dma_wait3A_68, %mul3A_4] : memref<20x128xi32, #tpu.memory_space<hbm>> -> memref<20x16xi32, #tpu.memory_space<hbm>>
        tpu.wait_dma2 semaphore(%run_scoped3A : memref<!tpu.dma_semaphore, #tpu.memory_space<semaphore_mem>>) src(%arg10 : memref<20x16xi32, #tpu.memory_space<vmem>>) dst(%dma_wait3A_69 : memref<20x16xi32, #tpu.memory_space<hbm>>)
        tpu.yield
      }) : () -> ()
    } else {
    }
    return
  }
}

module attributes {stable_mosaic.version = 14 : i64} {
  func.func @_score_body(%arg0: i32, %arg1: memref<1x64xbf16, #tpu.memory_space<vmem>>, %arg2: memref<64x400x128xf32, #tpu.memory_space<vmem>>, %arg3: memref<400x1xf32, #tpu.memory_space<vmem>>, %arg4: memref<400x128xf32, #tpu.memory_space<vmem>>, %arg5: memref<24x128xf32, #tpu.memory_space<vmem>>, %arg6: memref<24x128xi32, #tpu.memory_space<vmem>>) attributes {dimension_semantics = [#tpu.dimension_semantics<arbitrary>], iteration_bounds = array<i64: 25>, scalar_prefetch = 0 : i64, scratch_operands = 0 : i64, tpu.core_type = #tpu.core_type<tc>, window_params = [{pipeline_mode = #tpu.pipeline_mode<synchronous>, transform_indices = @transform_0, window_bounds = array<i64: 1, 64>}, {transform_indices = @transform_1, window_bounds = array<i64: 64, 400, 128>}, {transform_indices = @transform_2, window_bounds = array<i64: 400, 1>}, {transform_indices = @transform_3, window_bounds = array<i64: 400, 128>}, {transform_indices = @transform_4, window_bounds = array<i64: 24, 128>}, {transform_indices = @transform_5, window_bounds = array<i64: 24, 128>}]} {
    %get3A = arith.constant 0 : index
    %get3A_0 = arith.constant 0 : index
    %get3A_1 = arith.constant 0 : index
    %get3A_2 = vector.load %arg2[%get3A, %get3A_0, %get3A_1] : memref<64x400x128xf32, #tpu.memory_space<vmem>>, vector<64x400x128xf32>
    %convert_element_type3A = arith.truncf %get3A_2 : vector<64x400x128xf32> to vector<64x400x128xbf16>
    %reshape3A = vector.shape_cast %convert_element_type3A : vector<64x400x128xbf16> to vector<64x51200xbf16>
    %get3A_3 = arith.constant 0 : index
    %get3A_4 = arith.constant 0 : index
    %get3A_5 = vector.load %arg1[%get3A_3, %get3A_4] : memref<1x64xbf16, #tpu.memory_space<vmem>>, vector<1x64xbf16>
    %dot_general3A = arith.constant dense<0.000000e+00> : vector<1x51200xf32>
    %dot_general3A_6 = tpu.matmul %get3A_5, %reshape3A, %dot_general3A {dimension_numbers = #tpu.dot_dimension_numbers<[1], [0], [0], [1], [0, 0, 1, 1], [], []>, transpose_lhs_hint = false} : vector<1x64xbf16>, vector<64x51200xbf16>, vector<1x51200xf32> -> vector<1x51200xf32>
    %reshape3A_7 = vector.shape_cast %dot_general3A_6 : vector<1x51200xf32> to vector<400x128xf32>
    %get3A_8 = arith.constant 0 : index
    %get3A_9 = arith.constant 0 : index
    %get3A_10 = vector.load %arg3[%get3A_8, %get3A_9] : memref<400x1xf32, #tpu.memory_space<vmem>>, vector<400x1xf32>
    %add3A = vector.broadcast %get3A_10 : vector<400x1xf32> to vector<400x128xf32>
    %add3A_11 = arith.addf %reshape3A_7, %add3A : vector<400x128xf32>
    %swap3A = arith.constant 0 : index
    %swap3A_12 = arith.constant 0 : index
    %swap3A_13 = vector.load %arg4[%swap3A, %swap3A_12] : memref<400x128xf32, #tpu.memory_space<vmem>>, vector<400x128xf32>
    tpu.vector_store %arg4[%swap3A, %swap3A_12], %add3A_11 {strides = array<i32>} : memref<400x128xf32, #tpu.memory_space<vmem>>, vector<400x128xf32>,
    %iota3A = tpu.iota {dimensions = array<i32: 0>} : vector<400x128xi32>
    %iota3A_14 = tpu.iota {dimensions = array<i32: 0>} : vector<24x128xi32>
    %broadcast_in_dim3A = arith.constant 0xFF800000 : f32
    %broadcast_in_dim3A_15 = vector.broadcast %broadcast_in_dim3A : f32 to vector<24x128xf32>
    %broadcast_in_dim3A_16 = arith.constant 0 : i32
    %broadcast_in_dim3A_17 = vector.broadcast %broadcast_in_dim3A_16 : i32 to vector<24x128xi32>
    %reduce_max3A = arith.constant dense<0xFF800000> : vector<128xf32>
    %reduce_max3A_18 = vector.multi_reduction <maximumf>, %add3A_11, %reduce_max3A [0] : vector<400x128xf32> to vector<128xf32>
    %broadcast_in_dim3A_19 = vector.shape_cast %reduce_max3A_18 : vector<128xf32> to vector<1x128xf32>
    %eq3A = vector.broadcast %broadcast_in_dim3A_19 : vector<1x128xf32> to vector<400x128xf32>
    %eq3A_20 = arith.cmpf oeq, %add3A_11, %eq3A : vector<400x128xf32>
    %jit3A = arith.constant 1073741824 : i32
    %broadcast_in_dim3A_21 = vector.broadcast %jit3A : i32 to vector<400x128xi32>
    %select_n3A = arith.select %eq3A_20, %iota3A, %broadcast_in_dim3A_21 : vector<400x128xi1>, vector<400x128xi32>
    %reduce_min3A = arith.constant dense<2147483647> : vector<128xi32>
    %reduce_min3A_22 = vector.multi_reduction <minsi>, %select_n3A, %reduce_min3A [0] : vector<400x128xi32> to vector<128xi32>
    %broadcast_in_dim3A_23 = vector.shape_cast %reduce_min3A_22 : vector<128xi32> to vector<1x128xi32>
    %eq3A_24 = arith.constant 0 : i32
    %eq3A_25 = vector.broadcast %eq3A_24 : i32 to vector<24x128xi32>
    %eq3A_26 = arith.cmpi eq, %iota3A_14, %eq3A_25 : vector<24x128xi32>
    %broadcast_in_dim3A_27 = vector.shape_cast %broadcast_in_dim3A_19 : vector<1x128xf32> to vector<1x128xf32>
    %broadcast_in_dim3A_28 = vector.broadcast %broadcast_in_dim3A_27 : vector<1x128xf32> to vector<24x128xf32>
    %select_n3A_29 = arith.select %eq3A_26, %broadcast_in_dim3A_28, %broadcast_in_dim3A_15 : vector<24x128xi1>, vector<24x128xf32>
    %eq3A_30 = arith.constant 0 : i32
    %eq3A_31 = vector.broadcast %eq3A_30 : i32 to vector<24x128xi32>
    %eq3A_32 = arith.cmpi eq, %iota3A_14, %eq3A_31 : vector<24x128xi32>
    %mul3A = arith.constant 400 : i32
    %mul3A_33 = arith.muli %arg0, %mul3A : i32
    %add3A_34 = vector.broadcast %mul3A_33 : i32 to vector<1x128xi32>
    %add3A_35 = arith.addi %broadcast_in_dim3A_23, %add3A_34 : vector<1x128xi32>
    %broadcast_in_dim3A_36 = vector.shape_cast %add3A_35 : vector<1x128xi32> to vector<1x128xi32>
    %broadcast_in_dim3A_37 = vector.broadcast %broadcast_in_dim3A_36 : vector<1x128xi32> to vector<24x128xi32>
    %select_n3A_38 = arith.select %eq3A_32, %broadcast_in_dim3A_37, %broadcast_in_dim3A_17 : vector<24x128xi1>, vector<24x128xi32>
    %eq3A_39 = vector.broadcast %broadcast_in_dim3A_23 : vector<1x128xi32> to vector<400x128xi32>
    %eq3A_40 = arith.cmpi eq, %iota3A, %eq3A_39 : vector<400x128xi32>
    %jit3A_41 = arith.constant 0xFF800000 : f32
    %broadcast_in_dim3A_42 = vector.broadcast %jit3A_41 : f32 to vector<400x128xf32>
    %select_n3A_43 = arith.select %eq3A_40, %broadcast_in_dim3A_42, %add3A_11 : vector<400x128xi1>, vector<400x128xf32>
    %reduce_max3A_44 = arith.constant dense<0xFF800000> : vector<128xf32>
    %reduce_max3A_45 = vector.multi_reduction <maximumf>, %select_n3A_43, %reduce_max3A_44 [0] : vector<400x128xf32> to vector<128xf32>
    %broadcast_in_dim3A_46 = vector.shape_cast %reduce_max3A_45 : vector<128xf32> to vector<1x128xf32>
    %eq3A_47 = vector.broadcast %broadcast_in_dim3A_46 : vector<1x128xf32> to vector<400x128xf32>
    %eq3A_48 = arith.cmpf oeq, %select_n3A_43, %eq3A_47 : vector<400x128xf32>
    %jit3A_49 = arith.constant 1073741824 : i32
    %broadcast_in_dim3A_50 = vector.broadcast %jit3A_49 : i32 to vector<400x128xi32>
    %select_n3A_51 = arith.select %eq3A_48, %iota3A, %broadcast_in_dim3A_50 : vector<400x128xi1>, vector<400x128xi32>
    %reduce_min3A_52 = arith.constant dense<2147483647> : vector<128xi32>
    %reduce_min3A_53 = vector.multi_reduction <minsi>, %select_n3A_51, %reduce_min3A_52 [0] : vector<400x128xi32> to vector<128xi32>
    %broadcast_in_dim3A_54 = vector.shape_cast %reduce_min3A_53 : vector<128xi32> to vector<1x128xi32>
    %eq3A_55 = arith.constant 1 : i32
    %eq3A_56 = vector.broadcast %eq3A_55 : i32 to vector<24x128xi32>
    %eq3A_57 = arith.cmpi eq, %iota3A_14, %eq3A_56 : vector<24x128xi32>
    %broadcast_in_dim3A_58 = vector.shape_cast %broadcast_in_dim3A_46 : vector<1x128xf32> to vector<1x128xf32>
    %broadcast_in_dim3A_59 = vector.broadcast %broadcast_in_dim3A_58 : vector<1x128xf32> to vector<24x128xf32>
    %select_n3A_60 = arith.select %eq3A_57, %broadcast_in_dim3A_59, %select_n3A_29 : vector<24x128xi1>, vector<24x128xf32>
    %eq3A_61 = arith.constant 1 : i32
    %eq3A_62 = vector.broadcast %eq3A_61 : i32 to vector<24x128xi32>
    %eq3A_63 = arith.cmpi eq, %iota3A_14, %eq3A_62 : vector<24x128xi32>
    %mul3A_64 = arith.constant 400 : i32
    %mul3A_65 = arith.muli %arg0, %mul3A_64 : i32
    %add3A_66 = vector.broadcast %mul3A_65 : i32 to vector<1x128xi32>
    %add3A_67 = arith.addi %broadcast_in_dim3A_54, %add3A_66 : vector<1x128xi32>
    %broadcast_in_dim3A_68 = vector.shape_cast %add3A_67 : vector<1x128xi32> to vector<1x128xi32>
    %broadcast_in_dim3A_69 = vector.broadcast %broadcast_in_dim3A_68 : vector<1x128xi32> to vector<24x128xi32>
    %select_n3A_70 = arith.select %eq3A_63, %broadcast_in_dim3A_69, %select_n3A_38 : vector<24x128xi1>, vector<24x128xi32>
    %eq3A_71 = vector.broadcast %broadcast_in_dim3A_54 : vector<1x128xi32> to vector<400x128xi32>
    %eq3A_72 = arith.cmpi eq, %iota3A, %eq3A_71 : vector<400x128xi32>
    %jit3A_73 = arith.constant 0xFF800000 : f32
    %broadcast_in_dim3A_74 = vector.broadcast %jit3A_73 : f32 to vector<400x128xf32>
    %select_n3A_75 = arith.select %eq3A_72, %broadcast_in_dim3A_74, %select_n3A_43 : vector<400x128xi1>, vector<400x128xf32>
    %reduce_max3A_76 = arith.constant dense<0xFF800000> : vector<128xf32>
    %reduce_max3A_77 = vector.multi_reduction <maximumf>, %select_n3A_75, %reduce_max3A_76 [0] : vector<400x128xf32> to vector<128xf32>
    %broadcast_in_dim3A_78 = vector.shape_cast %reduce_max3A_77 : vector<128xf32> to vector<1x128xf32>
    %eq3A_79 = vector.broadcast %broadcast_in_dim3A_78 : vector<1x128xf32> to vector<400x128xf32>
    %eq3A_80 = arith.cmpf oeq, %select_n3A_75, %eq3A_79 : vector<400x128xf32>
    %jit3A_81 = arith.constant 1073741824 : i32
    %broadcast_in_dim3A_82 = vector.broadcast %jit3A_81 : i32 to vector<400x128xi32>
    %select_n3A_83 = arith.select %eq3A_80, %iota3A, %broadcast_in_dim3A_82 : vector<400x128xi1>, vector<400x128xi32>
    %reduce_min3A_84 = arith.constant dense<2147483647> : vector<128xi32>
    %reduce_min3A_85 = vector.multi_reduction <minsi>, %select_n3A_83, %reduce_min3A_84 [0] : vector<400x128xi32> to vector<128xi32>
    %broadcast_in_dim3A_86 = vector.shape_cast %reduce_min3A_85 : vector<128xi32> to vector<1x128xi32>
    %eq3A_87 = arith.constant 2 : i32
    %eq3A_88 = vector.broadcast %eq3A_87 : i32 to vector<24x128xi32>
    %eq3A_89 = arith.cmpi eq, %iota3A_14, %eq3A_88 : vector<24x128xi32>
    %broadcast_in_dim3A_90 = vector.shape_cast %broadcast_in_dim3A_78 : vector<1x128xf32> to vector<1x128xf32>
    %broadcast_in_dim3A_91 = vector.broadcast %broadcast_in_dim3A_90 : vector<1x128xf32> to vector<24x128xf32>
    %select_n3A_92 = arith.select %eq3A_89, %broadcast_in_dim3A_91, %select_n3A_60 : vector<24x128xi1>, vector<24x128xf32>
    %eq3A_93 = arith.constant 2 : i32
    %eq3A_94 = vector.broadcast %eq3A_93 : i32 to vector<24x128xi32>
    %eq3A_95 = arith.cmpi eq, %iota3A_14, %eq3A_94 : vector<24x128xi32>
    %mul3A_96 = arith.constant 400 : i32
    %mul3A_97 = arith.muli %arg0, %mul3A_96 : i32
    %add3A_98 = vector.broadcast %mul3A_97 : i32 to vector<1x128xi32>
    %add3A_99 = arith.addi %broadcast_in_dim3A_86, %add3A_98 : vector<1x128xi32>
    %broadcast_in_dim3A_100 = vector.shape_cast %add3A_99 : vector<1x128xi32> to vector<1x128xi32>
    %broadcast_in_dim3A_101 = vector.broadcast %broadcast_in_dim3A_100 : vector<1x128xi32> to vector<24x128xi32>
    %select_n3A_102 = arith.select %eq3A_95, %broadcast_in_dim3A_101, %select_n3A_70 : vector<24x128xi1>, vector<24x128xi32>
    %eq3A_103 = vector.broadcast %broadcast_in_dim3A_86 : vector<1x128xi32> to vector<400x128xi32>
    %eq3A_104 = arith.cmpi eq, %iota3A, %eq3A_103 : vector<400x128xi32>
    %jit3A_105 = arith.constant 0xFF800000 : f32
    %broadcast_in_dim3A_106 = vector.broadcast %jit3A_105 : f32 to vector<400x128xf32>
    %select_n3A_107 = arith.select %eq3A_104, %broadcast_in_dim3A_106, %select_n3A_75 : vector<400x128xi1>, vector<400x128xf32>
    %reduce_max3A_108 = arith.constant dense<0xFF800000> : vector<128xf32>
    %reduce_max3A_109 = vector.multi_reduction <maximumf>, %select_n3A_107, %reduce_max3A_108 [0] : vector<400x128xf32> to vector<128xf32>
    %broadcast_in_dim3A_110 = vector.shape_cast %reduce_max3A_109 : vector<128xf32> to vector<1x128xf32>
    %eq3A_111 = vector.broadcast %broadcast_in_dim3A_110 : vector<1x128xf32> to vector<400x128xf32>
    %eq3A_112 = arith.cmpf oeq, %select_n3A_107, %eq3A_111 : vector<400x128xf32>
    %jit3A_113 = arith.constant 1073741824 : i32
    %broadcast_in_dim3A_114 = vector.broadcast %jit3A_113 : i32 to vector<400x128xi32>
    %select_n3A_115 = arith.select %eq3A_112, %iota3A, %broadcast_in_dim3A_114 : vector<400x128xi1>, vector<400x128xi32>
    %reduce_min3A_116 = arith.constant dense<2147483647> : vector<128xi32>
    %reduce_min3A_117 = vector.multi_reduction <minsi>, %select_n3A_115, %reduce_min3A_116 [0] : vector<400x128xi32> to vector<128xi32>
    %broadcast_in_dim3A_118 = vector.shape_cast %reduce_min3A_117 : vector<128xi32> to vector<1x128xi32>
    %eq3A_119 = arith.constant 3 : i32
    %eq3A_120 = vector.broadcast %eq3A_119 : i32 to vector<24x128xi32>
    %eq3A_121 = arith.cmpi eq, %iota3A_14, %eq3A_120 : vector<24x128xi32>
    %broadcast_in_dim3A_122 = vector.shape_cast %broadcast_in_dim3A_110 : vector<1x128xf32> to vector<1x128xf32>
    %broadcast_in_dim3A_123 = vector.broadcast %broadcast_in_dim3A_122 : vector<1x128xf32> to vector<24x128xf32>
    %select_n3A_124 = arith.select %eq3A_121, %broadcast_in_dim3A_123, %select_n3A_92 : vector<24x128xi1>, vector<24x128xf32>
    %eq3A_125 = arith.constant 3 : i32
    %eq3A_126 = vector.broadcast %eq3A_125 : i32 to vector<24x128xi32>
    %eq3A_127 = arith.cmpi eq, %iota3A_14, %eq3A_126 : vector<24x128xi32>
    %mul3A_128 = arith.constant 400 : i32
    %mul3A_129 = arith.muli %arg0, %mul3A_128 : i32
    %add3A_130 = vector.broadcast %mul3A_129 : i32 to vector<1x128xi32>
    %add3A_131 = arith.addi %broadcast_in_dim3A_118, %add3A_130 : vector<1x128xi32>
    %broadcast_in_dim3A_132 = vector.shape_cast %add3A_131 : vector<1x128xi32> to vector<1x128xi32>
    %broadcast_in_dim3A_133 = vector.broadcast %broadcast_in_dim3A_132 : vector<1x128xi32> to vector<24x128xi32>
    %select_n3A_134 = arith.select %eq3A_127, %broadcast_in_dim3A_133, %select_n3A_102 : vector<24x128xi1>, vector<24x128xi32>
    %eq3A_135 = vector.broadcast %broadcast_in_dim3A_118 : vector<1x128xi32> to vector<400x128xi32>
    %eq3A_136 = arith.cmpi eq, %iota3A, %eq3A_135 : vector<400x128xi32>
    %jit3A_137 = arith.constant 0xFF800000 : f32
    %broadcast_in_dim3A_138 = vector.broadcast %jit3A_137 : f32 to vector<400x128xf32>
    %select_n3A_139 = arith.select %eq3A_136, %broadcast_in_dim3A_138, %select_n3A_107 : vector<400x128xi1>, vector<400x128xf32>
    %reduce_max3A_140 = arith.constant dense<0xFF800000> : vector<128xf32>
    %reduce_max3A_141 = vector.multi_reduction <maximumf>, %select_n3A_139, %reduce_max3A_140 [0] : vector<400x128xf32> to vector<128xf32>
    %broadcast_in_dim3A_142 = vector.shape_cast %reduce_max3A_141 : vector<128xf32> to vector<1x128xf32>
    %eq3A_143 = vector.broadcast %broadcast_in_dim3A_142 : vector<1x128xf32> to vector<400x128xf32>
    %eq3A_144 = arith.cmpf oeq, %select_n3A_139, %eq3A_143 : vector<400x128xf32>
    %jit3A_145 = arith.constant 1073741824 : i32
    %broadcast_in_dim3A_146 = vector.broadcast %jit3A_145 : i32 to vector<400x128xi32>
    %select_n3A_147 = arith.select %eq3A_144, %iota3A, %broadcast_in_dim3A_146 : vector<400x128xi1>, vector<400x128xi32>
    %reduce_min3A_148 = arith.constant dense<2147483647> : vector<128xi32>
    %reduce_min3A_149 = vector.multi_reduction <minsi>, %select_n3A_147, %reduce_min3A_148 [0] : vector<400x128xi32> to vector<128xi32>
    %broadcast_in_dim3A_150 = vector.shape_cast %reduce_min3A_149 : vector<128xi32> to vector<1x128xi32>
    %eq3A_151 = arith.constant 4 : i32
    %eq3A_152 = vector.broadcast %eq3A_151 : i32 to vector<24x128xi32>
    %eq3A_153 = arith.cmpi eq, %iota3A_14, %eq3A_152 : vector<24x128xi32>
    %broadcast_in_dim3A_154 = vector.shape_cast %broadcast_in_dim3A_142 : vector<1x128xf32> to vector<1x128xf32>
    %broadcast_in_dim3A_155 = vector.broadcast %broadcast_in_dim3A_154 : vector<1x128xf32> to vector<24x128xf32>
    %select_n3A_156 = arith.select %eq3A_153, %broadcast_in_dim3A_155, %select_n3A_124 : vector<24x128xi1>, vector<24x128xf32>
    %eq3A_157 = arith.constant 4 : i32
    %eq3A_158 = vector.broadcast %eq3A_157 : i32 to vector<24x128xi32>
    %eq3A_159 = arith.cmpi eq, %iota3A_14, %eq3A_158 : vector<24x128xi32>
    %mul3A_160 = arith.constant 400 : i32
    %mul3A_161 = arith.muli %arg0, %mul3A_160 : i32
    %add3A_162 = vector.broadcast %mul3A_161 : i32 to vector<1x128xi32>
    %add3A_163 = arith.addi %broadcast_in_dim3A_150, %add3A_162 : vector<1x128xi32>
    %broadcast_in_dim3A_164 = vector.shape_cast %add3A_163 : vector<1x128xi32> to vector<1x128xi32>
    %broadcast_in_dim3A_165 = vector.broadcast %broadcast_in_dim3A_164 : vector<1x128xi32> to vector<24x128xi32>
    %select_n3A_166 = arith.select %eq3A_159, %broadcast_in_dim3A_165, %select_n3A_134 : vector<24x128xi1>, vector<24x128xi32>
    %eq3A_167 = vector.broadcast %broadcast_in_dim3A_150 : vector<1x128xi32> to vector<400x128xi32>
    %eq3A_168 = arith.cmpi eq, %iota3A, %eq3A_167 : vector<400x128xi32>
    %jit3A_169 = arith.constant 0xFF800000 : f32
    %broadcast_in_dim3A_170 = vector.broadcast %jit3A_169 : f32 to vector<400x128xf32>
    %select_n3A_171 = arith.select %eq3A_168, %broadcast_in_dim3A_170, %select_n3A_139 : vector<400x128xi1>, vector<400x128xf32>
    %reduce_max3A_172 = arith.constant dense<0xFF800000> : vector<128xf32>
    %reduce_max3A_173 = vector.multi_reduction <maximumf>, %select_n3A_171, %reduce_max3A_172 [0] : vector<400x128xf32> to vector<128xf32>
    %broadcast_in_dim3A_174 = vector.shape_cast %reduce_max3A_173 : vector<128xf32> to vector<1x128xf32>
    %eq3A_175 = vector.broadcast %broadcast_in_dim3A_174 : vector<1x128xf32> to vector<400x128xf32>
    %eq3A_176 = arith.cmpf oeq, %select_n3A_171, %eq3A_175 : vector<400x128xf32>
    %jit3A_177 = arith.constant 1073741824 : i32
    %broadcast_in_dim3A_178 = vector.broadcast %jit3A_177 : i32 to vector<400x128xi32>
    %select_n3A_179 = arith.select %eq3A_176, %iota3A, %broadcast_in_dim3A_178 : vector<400x128xi1>, vector<400x128xi32>
    %reduce_min3A_180 = arith.constant dense<2147483647> : vector<128xi32>
    %reduce_min3A_181 = vector.multi_reduction <minsi>, %select_n3A_179, %reduce_min3A_180 [0] : vector<400x128xi32> to vector<128xi32>
    %broadcast_in_dim3A_182 = vector.shape_cast %reduce_min3A_181 : vector<128xi32> to vector<1x128xi32>
    %eq3A_183 = arith.constant 5 : i32
    %eq3A_184 = vector.broadcast %eq3A_183 : i32 to vector<24x128xi32>
    %eq3A_185 = arith.cmpi eq, %iota3A_14, %eq3A_184 : vector<24x128xi32>
    %broadcast_in_dim3A_186 = vector.shape_cast %broadcast_in_dim3A_174 : vector<1x128xf32> to vector<1x128xf32>
    %broadcast_in_dim3A_187 = vector.broadcast %broadcast_in_dim3A_186 : vector<1x128xf32> to vector<24x128xf32>
    %select_n3A_188 = arith.select %eq3A_185, %broadcast_in_dim3A_187, %select_n3A_156 : vector<24x128xi1>, vector<24x128xf32>
    %eq3A_189 = arith.constant 5 : i32
    %eq3A_190 = vector.broadcast %eq3A_189 : i32 to vector<24x128xi32>
    %eq3A_191 = arith.cmpi eq, %iota3A_14, %eq3A_190 : vector<24x128xi32>
    %mul3A_192 = arith.constant 400 : i32
    %mul3A_193 = arith.muli %arg0, %mul3A_192 : i32
    %add3A_194 = vector.broadcast %mul3A_193 : i32 to vector<1x128xi32>
    %add3A_195 = arith.addi %broadcast_in_dim3A_182, %add3A_194 : vector<1x128xi32>
    %broadcast_in_dim3A_196 = vector.shape_cast %add3A_195 : vector<1x128xi32> to vector<1x128xi32>
    %broadcast_in_dim3A_197 = vector.broadcast %broadcast_in_dim3A_196 : vector<1x128xi32> to vector<24x128xi32>
    %select_n3A_198 = arith.select %eq3A_191, %broadcast_in_dim3A_197, %select_n3A_166 : vector<24x128xi1>, vector<24x128xi32>
    %eq3A_199 = vector.broadcast %broadcast_in_dim3A_182 : vector<1x128xi32> to vector<400x128xi32>
    %eq3A_200 = arith.cmpi eq, %iota3A, %eq3A_199 : vector<400x128xi32>
    %jit3A_201 = arith.constant 0xFF800000 : f32
    %broadcast_in_dim3A_202 = vector.broadcast %jit3A_201 : f32 to vector<400x128xf32>
    %select_n3A_203 = arith.select %eq3A_200, %broadcast_in_dim3A_202, %select_n3A_171 : vector<400x128xi1>, vector<400x128xf32>
    %reduce_max3A_204 = arith.constant dense<0xFF800000> : vector<128xf32>
    %reduce_max3A_205 = vector.multi_reduction <maximumf>, %select_n3A_203, %reduce_max3A_204 [0] : vector<400x128xf32> to vector<128xf32>
    %broadcast_in_dim3A_206 = vector.shape_cast %reduce_max3A_205 : vector<128xf32> to vector<1x128xf32>
    %eq3A_207 = vector.broadcast %broadcast_in_dim3A_206 : vector<1x128xf32> to vector<400x128xf32>
    %eq3A_208 = arith.cmpf oeq, %select_n3A_203, %eq3A_207 : vector<400x128xf32>
    %jit3A_209 = arith.constant 1073741824 : i32
    %broadcast_in_dim3A_210 = vector.broadcast %jit3A_209 : i32 to vector<400x128xi32>
    %select_n3A_211 = arith.select %eq3A_208, %iota3A, %broadcast_in_dim3A_210 : vector<400x128xi1>, vector<400x128xi32>
    %reduce_min3A_212 = arith.constant dense<2147483647> : vector<128xi32>
    %reduce_min3A_213 = vector.multi_reduction <minsi>, %select_n3A_211, %reduce_min3A_212 [0] : vector<400x128xi32> to vector<128xi32>
    %broadcast_in_dim3A_214 = vector.shape_cast %reduce_min3A_213 : vector<128xi32> to vector<1x128xi32>
    %eq3A_215 = arith.constant 6 : i32
    %eq3A_216 = vector.broadcast %eq3A_215 : i32 to vector<24x128xi32>
    %eq3A_217 = arith.cmpi eq, %iota3A_14, %eq3A_216 : vector<24x128xi32>
    %broadcast_in_dim3A_218 = vector.shape_cast %broadcast_in_dim3A_206 : vector<1x128xf32> to vector<1x128xf32>
    %broadcast_in_dim3A_219 = vector.broadcast %broadcast_in_dim3A_218 : vector<1x128xf32> to vector<24x128xf32>
    %select_n3A_220 = arith.select %eq3A_217, %broadcast_in_dim3A_219, %select_n3A_188 : vector<24x128xi1>, vector<24x128xf32>
    %eq3A_221 = arith.constant 6 : i32
    %eq3A_222 = vector.broadcast %eq3A_221 : i32 to vector<24x128xi32>
    %eq3A_223 = arith.cmpi eq, %iota3A_14, %eq3A_222 : vector<24x128xi32>
    %mul3A_224 = arith.constant 400 : i32
    %mul3A_225 = arith.muli %arg0, %mul3A_224 : i32
    %add3A_226 = vector.broadcast %mul3A_225 : i32 to vector<1x128xi32>
    %add3A_227 = arith.addi %broadcast_in_dim3A_214, %add3A_226 : vector<1x128xi32>
    %broadcast_in_dim3A_228 = vector.shape_cast %add3A_227 : vector<1x128xi32> to vector<1x128xi32>
    %broadcast_in_dim3A_229 = vector.broadcast %broadcast_in_dim3A_228 : vector<1x128xi32> to vector<24x128xi32>
    %select_n3A_230 = arith.select %eq3A_223, %broadcast_in_dim3A_229, %select_n3A_198 : vector<24x128xi1>, vector<24x128xi32>
    %eq3A_231 = vector.broadcast %broadcast_in_dim3A_214 : vector<1x128xi32> to vector<400x128xi32>
    %eq3A_232 = arith.cmpi eq, %iota3A, %eq3A_231 : vector<400x128xi32>
    %jit3A_233 = arith.constant 0xFF800000 : f32
    %broadcast_in_dim3A_234 = vector.broadcast %jit3A_233 : f32 to vector<400x128xf32>
    %select_n3A_235 = arith.select %eq3A_232, %broadcast_in_dim3A_234, %select_n3A_203 : vector<400x128xi1>, vector<400x128xf32>
    %reduce_max3A_236 = arith.constant dense<0xFF800000> : vector<128xf32>
    %reduce_max3A_237 = vector.multi_reduction <maximumf>, %select_n3A_235, %reduce_max3A_236 [0] : vector<400x128xf32> to vector<128xf32>
    %broadcast_in_dim3A_238 = vector.shape_cast %reduce_max3A_237 : vector<128xf32> to vector<1x128xf32>
    %eq3A_239 = vector.broadcast %broadcast_in_dim3A_238 : vector<1x128xf32> to vector<400x128xf32>
    %eq3A_240 = arith.cmpf oeq, %select_n3A_235, %eq3A_239 : vector<400x128xf32>
    %jit3A_241 = arith.constant 1073741824 : i32
    %broadcast_in_dim3A_242 = vector.broadcast %jit3A_241 : i32 to vector<400x128xi32>
    %select_n3A_243 = arith.select %eq3A_240, %iota3A, %broadcast_in_dim3A_242 : vector<400x128xi1>, vector<400x128xi32>
    %reduce_min3A_244 = arith.constant dense<2147483647> : vector<128xi32>
    %reduce_min3A_245 = vector.multi_reduction <minsi>, %select_n3A_243, %reduce_min3A_244 [0] : vector<400x128xi32> to vector<128xi32>
    %broadcast_in_dim3A_246 = vector.shape_cast %reduce_min3A_245 : vector<128xi32> to vector<1x128xi32>
    %eq3A_247 = arith.constant 7 : i32
    %eq3A_248 = vector.broadcast %eq3A_247 : i32 to vector<24x128xi32>
    %eq3A_249 = arith.cmpi eq, %iota3A_14, %eq3A_248 : vector<24x128xi32>
    %broadcast_in_dim3A_250 = vector.shape_cast %broadcast_in_dim3A_238 : vector<1x128xf32> to vector<1x128xf32>
    %broadcast_in_dim3A_251 = vector.broadcast %broadcast_in_dim3A_250 : vector<1x128xf32> to vector<24x128xf32>
    %select_n3A_252 = arith.select %eq3A_249, %broadcast_in_dim3A_251, %select_n3A_220 : vector<24x128xi1>, vector<24x128xf32>
    %eq3A_253 = arith.constant 7 : i32
    %eq3A_254 = vector.broadcast %eq3A_253 : i32 to vector<24x128xi32>
    %eq3A_255 = arith.cmpi eq, %iota3A_14, %eq3A_254 : vector<24x128xi32>
    %mul3A_256 = arith.constant 400 : i32
    %mul3A_257 = arith.muli %arg0, %mul3A_256 : i32
    %add3A_258 = vector.broadcast %mul3A_257 : i32 to vector<1x128xi32>
    %add3A_259 = arith.addi %broadcast_in_dim3A_246, %add3A_258 : vector<1x128xi32>
    %broadcast_in_dim3A_260 = vector.shape_cast %add3A_259 : vector<1x128xi32> to vector<1x128xi32>
    %broadcast_in_dim3A_261 = vector.broadcast %broadcast_in_dim3A_260 : vector<1x128xi32> to vector<24x128xi32>
    %select_n3A_262 = arith.select %eq3A_255, %broadcast_in_dim3A_261, %select_n3A_230 : vector<24x128xi1>, vector<24x128xi32>
    %eq3A_263 = vector.broadcast %broadcast_in_dim3A_246 : vector<1x128xi32> to vector<400x128xi32>
    %eq3A_264 = arith.cmpi eq, %iota3A, %eq3A_263 : vector<400x128xi32>
    %jit3A_265 = arith.constant 0xFF800000 : f32
    %broadcast_in_dim3A_266 = vector.broadcast %jit3A_265 : f32 to vector<400x128xf32>
    %select_n3A_267 = arith.select %eq3A_264, %broadcast_in_dim3A_266, %select_n3A_235 : vector<400x128xi1>, vector<400x128xf32>
    %reduce_max3A_268 = arith.constant dense<0xFF800000> : vector<128xf32>
    %reduce_max3A_269 = vector.multi_reduction <maximumf>, %select_n3A_267, %reduce_max3A_268 [0] : vector<400x128xf32> to vector<128xf32>
    %broadcast_in_dim3A_270 = vector.shape_cast %reduce_max3A_269 : vector<128xf32> to vector<1x128xf32>
    %eq3A_271 = vector.broadcast %broadcast_in_dim3A_270 : vector<1x128xf32> to vector<400x128xf32>
    %eq3A_272 = arith.cmpf oeq, %select_n3A_267, %eq3A_271 : vector<400x128xf32>
    %jit3A_273 = arith.constant 1073741824 : i32
    %broadcast_in_dim3A_274 = vector.broadcast %jit3A_273 : i32 to vector<400x128xi32>
    %select_n3A_275 = arith.select %eq3A_272, %iota3A, %broadcast_in_dim3A_274 : vector<400x128xi1>, vector<400x128xi32>
    %reduce_min3A_276 = arith.constant dense<2147483647> : vector<128xi32>
    %reduce_min3A_277 = vector.multi_reduction <minsi>, %select_n3A_275, %reduce_min3A_276 [0] : vector<400x128xi32> to vector<128xi32>
    %broadcast_in_dim3A_278 = vector.shape_cast %reduce_min3A_277 : vector<128xi32> to vector<1x128xi32>
    %eq3A_279 = arith.constant 8 : i32
    %eq3A_280 = vector.broadcast %eq3A_279 : i32 to vector<24x128xi32>
    %eq3A_281 = arith.cmpi eq, %iota3A_14, %eq3A_280 : vector<24x128xi32>
    %broadcast_in_dim3A_282 = vector.shape_cast %broadcast_in_dim3A_270 : vector<1x128xf32> to vector<1x128xf32>
    %broadcast_in_dim3A_283 = vector.broadcast %broadcast_in_dim3A_282 : vector<1x128xf32> to vector<24x128xf32>
    %select_n3A_284 = arith.select %eq3A_281, %broadcast_in_dim3A_283, %select_n3A_252 : vector<24x128xi1>, vector<24x128xf32>
    %eq3A_285 = arith.constant 8 : i32
    %eq3A_286 = vector.broadcast %eq3A_285 : i32 to vector<24x128xi32>
    %eq3A_287 = arith.cmpi eq, %iota3A_14, %eq3A_286 : vector<24x128xi32>
    %mul3A_288 = arith.constant 400 : i32
    %mul3A_289 = arith.muli %arg0, %mul3A_288 : i32
    %add3A_290 = vector.broadcast %mul3A_289 : i32 to vector<1x128xi32>
    %add3A_291 = arith.addi %broadcast_in_dim3A_278, %add3A_290 : vector<1x128xi32>
    %broadcast_in_dim3A_292 = vector.shape_cast %add3A_291 : vector<1x128xi32> to vector<1x128xi32>
    %broadcast_in_dim3A_293 = vector.broadcast %broadcast_in_dim3A_292 : vector<1x128xi32> to vector<24x128xi32>
    %select_n3A_294 = arith.select %eq3A_287, %broadcast_in_dim3A_293, %select_n3A_262 : vector<24x128xi1>, vector<24x128xi32>
    %eq3A_295 = vector.broadcast %broadcast_in_dim3A_278 : vector<1x128xi32> to vector<400x128xi32>
    %eq3A_296 = arith.cmpi eq, %iota3A, %eq3A_295 : vector<400x128xi32>
    %jit3A_297 = arith.constant 0xFF800000 : f32
    %broadcast_in_dim3A_298 = vector.broadcast %jit3A_297 : f32 to vector<400x128xf32>
    %select_n3A_299 = arith.select %eq3A_296, %broadcast_in_dim3A_298, %select_n3A_267 : vector<400x128xi1>, vector<400x128xf32>
    %reduce_max3A_300 = arith.constant dense<0xFF800000> : vector<128xf32>
    %reduce_max3A_301 = vector.multi_reduction <maximumf>, %select_n3A_299, %reduce_max3A_300 [0] : vector<400x128xf32> to vector<128xf32>
    %broadcast_in_dim3A_302 = vector.shape_cast %reduce_max3A_301 : vector<128xf32> to vector<1x128xf32>
    %eq3A_303 = vector.broadcast %broadcast_in_dim3A_302 : vector<1x128xf32> to vector<400x128xf32>
    %eq3A_304 = arith.cmpf oeq, %select_n3A_299, %eq3A_303 : vector<400x128xf32>
    %jit3A_305 = arith.constant 1073741824 : i32
    %broadcast_in_dim3A_306 = vector.broadcast %jit3A_305 : i32 to vector<400x128xi32>
    %select_n3A_307 = arith.select %eq3A_304, %iota3A, %broadcast_in_dim3A_306 : vector<400x128xi1>, vector<400x128xi32>
    %reduce_min3A_308 = arith.constant dense<2147483647> : vector<128xi32>
    %reduce_min3A_309 = vector.multi_reduction <minsi>, %select_n3A_307, %reduce_min3A_308 [0] : vector<400x128xi32> to vector<128xi32>
    %broadcast_in_dim3A_310 = vector.shape_cast %reduce_min3A_309 : vector<128xi32> to vector<1x128xi32>
    %eq3A_311 = arith.constant 9 : i32
    %eq3A_312 = vector.broadcast %eq3A_311 : i32 to vector<24x128xi32>
    %eq3A_313 = arith.cmpi eq, %iota3A_14, %eq3A_312 : vector<24x128xi32>
    %broadcast_in_dim3A_314 = vector.shape_cast %broadcast_in_dim3A_302 : vector<1x128xf32> to vector<1x128xf32>
    %broadcast_in_dim3A_315 = vector.broadcast %broadcast_in_dim3A_314 : vector<1x128xf32> to vector<24x128xf32>
    %select_n3A_316 = arith.select %eq3A_313, %broadcast_in_dim3A_315, %select_n3A_284 : vector<24x128xi1>, vector<24x128xf32>
    %eq3A_317 = arith.constant 9 : i32
    %eq3A_318 = vector.broadcast %eq3A_317 : i32 to vector<24x128xi32>
    %eq3A_319 = arith.cmpi eq, %iota3A_14, %eq3A_318 : vector<24x128xi32>
    %mul3A_320 = arith.constant 400 : i32
    %mul3A_321 = arith.muli %arg0, %mul3A_320 : i32
    %add3A_322 = vector.broadcast %mul3A_321 : i32 to vector<1x128xi32>
    %add3A_323 = arith.addi %broadcast_in_dim3A_310, %add3A_322 : vector<1x128xi32>
    %broadcast_in_dim3A_324 = vector.shape_cast %add3A_323 : vector<1x128xi32> to vector<1x128xi32>
    %broadcast_in_dim3A_325 = vector.broadcast %broadcast_in_dim3A_324 : vector<1x128xi32> to vector<24x128xi32>
    %select_n3A_326 = arith.select %eq3A_319, %broadcast_in_dim3A_325, %select_n3A_294 : vector<24x128xi1>, vector<24x128xi32>
    %eq3A_327 = vector.broadcast %broadcast_in_dim3A_310 : vector<1x128xi32> to vector<400x128xi32>
    %eq3A_328 = arith.cmpi eq, %iota3A, %eq3A_327 : vector<400x128xi32>
    %jit3A_329 = arith.constant 0xFF800000 : f32
    %broadcast_in_dim3A_330 = vector.broadcast %jit3A_329 : f32 to vector<400x128xf32>
    %select_n3A_331 = arith.select %eq3A_328, %broadcast_in_dim3A_330, %select_n3A_299 : vector<400x128xi1>, vector<400x128xf32>
    %reduce_max3A_332 = arith.constant dense<0xFF800000> : vector<128xf32>
    %reduce_max3A_333 = vector.multi_reduction <maximumf>, %select_n3A_331, %reduce_max3A_332 [0] : vector<400x128xf32> to vector<128xf32>
    %broadcast_in_dim3A_334 = vector.shape_cast %reduce_max3A_333 : vector<128xf32> to vector<1x128xf32>
    %eq3A_335 = vector.broadcast %broadcast_in_dim3A_334 : vector<1x128xf32> to vector<400x128xf32>
    %eq3A_336 = arith.cmpf oeq, %select_n3A_331, %eq3A_335 : vector<400x128xf32>
    %jit3A_337 = arith.constant 1073741824 : i32
    %broadcast_in_dim3A_338 = vector.broadcast %jit3A_337 : i32 to vector<400x128xi32>
    %select_n3A_339 = arith.select %eq3A_336, %iota3A, %broadcast_in_dim3A_338 : vector<400x128xi1>, vector<400x128xi32>
    %reduce_min3A_340 = arith.constant dense<2147483647> : vector<128xi32>
    %reduce_min3A_341 = vector.multi_reduction <minsi>, %select_n3A_339, %reduce_min3A_340 [0] : vector<400x128xi32> to vector<128xi32>
    %broadcast_in_dim3A_342 = vector.shape_cast %reduce_min3A_341 : vector<128xi32> to vector<1x128xi32>
    %eq3A_343 = arith.constant 10 : i32
    %eq3A_344 = vector.broadcast %eq3A_343 : i32 to vector<24x128xi32>
    %eq3A_345 = arith.cmpi eq, %iota3A_14, %eq3A_344 : vector<24x128xi32>
    %broadcast_in_dim3A_346 = vector.shape_cast %broadcast_in_dim3A_334 : vector<1x128xf32> to vector<1x128xf32>
    %broadcast_in_dim3A_347 = vector.broadcast %broadcast_in_dim3A_346 : vector<1x128xf32> to vector<24x128xf32>
    %select_n3A_348 = arith.select %eq3A_345, %broadcast_in_dim3A_347, %select_n3A_316 : vector<24x128xi1>, vector<24x128xf32>
    %eq3A_349 = arith.constant 10 : i32
    %eq3A_350 = vector.broadcast %eq3A_349 : i32 to vector<24x128xi32>
    %eq3A_351 = arith.cmpi eq, %iota3A_14, %eq3A_350 : vector<24x128xi32>
    %mul3A_352 = arith.constant 400 : i32
    %mul3A_353 = arith.muli %arg0, %mul3A_352 : i32
    %add3A_354 = vector.broadcast %mul3A_353 : i32 to vector<1x128xi32>
    %add3A_355 = arith.addi %broadcast_in_dim3A_342, %add3A_354 : vector<1x128xi32>
    %broadcast_in_dim3A_356 = vector.shape_cast %add3A_355 : vector<1x128xi32> to vector<1x128xi32>
    %broadcast_in_dim3A_357 = vector.broadcast %broadcast_in_dim3A_356 : vector<1x128xi32> to vector<24x128xi32>
    %select_n3A_358 = arith.select %eq3A_351, %broadcast_in_dim3A_357, %select_n3A_326 : vector<24x128xi1>, vector<24x128xi32>
    %eq3A_359 = vector.broadcast %broadcast_in_dim3A_342 : vector<1x128xi32> to vector<400x128xi32>
    %eq3A_360 = arith.cmpi eq, %iota3A, %eq3A_359 : vector<400x128xi32>
    %jit3A_361 = arith.constant 0xFF800000 : f32
    %broadcast_in_dim3A_362 = vector.broadcast %jit3A_361 : f32 to vector<400x128xf32>
    %select_n3A_363 = arith.select %eq3A_360, %broadcast_in_dim3A_362, %select_n3A_331 : vector<400x128xi1>, vector<400x128xf32>
    %reduce_max3A_364 = arith.constant dense<0xFF800000> : vector<128xf32>
    %reduce_max3A_365 = vector.multi_reduction <maximumf>, %select_n3A_363, %reduce_max3A_364 [0] : vector<400x128xf32> to vector<128xf32>
    %broadcast_in_dim3A_366 = vector.shape_cast %reduce_max3A_365 : vector<128xf32> to vector<1x128xf32>
    %eq3A_367 = vector.broadcast %broadcast_in_dim3A_366 : vector<1x128xf32> to vector<400x128xf32>
    %eq3A_368 = arith.cmpf oeq, %select_n3A_363, %eq3A_367 : vector<400x128xf32>
    %jit3A_369 = arith.constant 1073741824 : i32
    %broadcast_in_dim3A_370 = vector.broadcast %jit3A_369 : i32 to vector<400x128xi32>
    %select_n3A_371 = arith.select %eq3A_368, %iota3A, %broadcast_in_dim3A_370 : vector<400x128xi1>, vector<400x128xi32>
    %reduce_min3A_372 = arith.constant dense<2147483647> : vector<128xi32>
    %reduce_min3A_373 = vector.multi_reduction <minsi>, %select_n3A_371, %reduce_min3A_372 [0] : vector<400x128xi32> to vector<128xi32>
    %broadcast_in_dim3A_374 = vector.shape_cast %reduce_min3A_373 : vector<128xi32> to vector<1x128xi32>
    %eq3A_375 = arith.constant 11 : i32
    %eq3A_376 = vector.broadcast %eq3A_375 : i32 to vector<24x128xi32>
    %eq3A_377 = arith.cmpi eq, %iota3A_14, %eq3A_376 : vector<24x128xi32>
    %broadcast_in_dim3A_378 = vector.shape_cast %broadcast_in_dim3A_366 : vector<1x128xf32> to vector<1x128xf32>
    %broadcast_in_dim3A_379 = vector.broadcast %broadcast_in_dim3A_378 : vector<1x128xf32> to vector<24x128xf32>
    %select_n3A_380 = arith.select %eq3A_377, %broadcast_in_dim3A_379, %select_n3A_348 : vector<24x128xi1>, vector<24x128xf32>
    %eq3A_381 = arith.constant 11 : i32
    %eq3A_382 = vector.broadcast %eq3A_381 : i32 to vector<24x128xi32>
    %eq3A_383 = arith.cmpi eq, %iota3A_14, %eq3A_382 : vector<24x128xi32>
    %mul3A_384 = arith.constant 400 : i32
    %mul3A_385 = arith.muli %arg0, %mul3A_384 : i32
    %add3A_386 = vector.broadcast %mul3A_385 : i32 to vector<1x128xi32>
    %add3A_387 = arith.addi %broadcast_in_dim3A_374, %add3A_386 : vector<1x128xi32>
    %broadcast_in_dim3A_388 = vector.shape_cast %add3A_387 : vector<1x128xi32> to vector<1x128xi32>
    %broadcast_in_dim3A_389 = vector.broadcast %broadcast_in_dim3A_388 : vector<1x128xi32> to vector<24x128xi32>
    %select_n3A_390 = arith.select %eq3A_383, %broadcast_in_dim3A_389, %select_n3A_358 : vector<24x128xi1>, vector<24x128xi32>
    %eq3A_391 = vector.broadcast %broadcast_in_dim3A_374 : vector<1x128xi32> to vector<400x128xi32>
    %eq3A_392 = arith.cmpi eq, %iota3A, %eq3A_391 : vector<400x128xi32>
    %jit3A_393 = arith.constant 0xFF800000 : f32
    %broadcast_in_dim3A_394 = vector.broadcast %jit3A_393 : f32 to vector<400x128xf32>
    %select_n3A_395 = arith.select %eq3A_392, %broadcast_in_dim3A_394, %select_n3A_363 : vector<400x128xi1>, vector<400x128xf32>
    %reduce_max3A_396 = arith.constant dense<0xFF800000> : vector<128xf32>
    %reduce_max3A_397 = vector.multi_reduction <maximumf>, %select_n3A_395, %reduce_max3A_396 [0] : vector<400x128xf32> to vector<128xf32>
    %broadcast_in_dim3A_398 = vector.shape_cast %reduce_max3A_397 : vector<128xf32> to vector<1x128xf32>
    %eq3A_399 = vector.broadcast %broadcast_in_dim3A_398 : vector<1x128xf32> to vector<400x128xf32>
    %eq3A_400 = arith.cmpf oeq, %select_n3A_395, %eq3A_399 : vector<400x128xf32>
    %jit3A_401 = arith.constant 1073741824 : i32
    %broadcast_in_dim3A_402 = vector.broadcast %jit3A_401 : i32 to vector<400x128xi32>
    %select_n3A_403 = arith.select %eq3A_400, %iota3A, %broadcast_in_dim3A_402 : vector<400x128xi1>, vector<400x128xi32>
    %reduce_min3A_404 = arith.constant dense<2147483647> : vector<128xi32>
    %reduce_min3A_405 = vector.multi_reduction <minsi>, %select_n3A_403, %reduce_min3A_404 [0] : vector<400x128xi32> to vector<128xi32>
    %broadcast_in_dim3A_406 = vector.shape_cast %reduce_min3A_405 : vector<128xi32> to vector<1x128xi32>
    %eq3A_407 = arith.constant 12 : i32
    %eq3A_408 = vector.broadcast %eq3A_407 : i32 to vector<24x128xi32>
    %eq3A_409 = arith.cmpi eq, %iota3A_14, %eq3A_408 : vector<24x128xi32>
    %broadcast_in_dim3A_410 = vector.shape_cast %broadcast_in_dim3A_398 : vector<1x128xf32> to vector<1x128xf32>
    %broadcast_in_dim3A_411 = vector.broadcast %broadcast_in_dim3A_410 : vector<1x128xf32> to vector<24x128xf32>
    %select_n3A_412 = arith.select %eq3A_409, %broadcast_in_dim3A_411, %select_n3A_380 : vector<24x128xi1>, vector<24x128xf32>
    %eq3A_413 = arith.constant 12 : i32
    %eq3A_414 = vector.broadcast %eq3A_413 : i32 to vector<24x128xi32>
    %eq3A_415 = arith.cmpi eq, %iota3A_14, %eq3A_414 : vector<24x128xi32>
    %mul3A_416 = arith.constant 400 : i32
    %mul3A_417 = arith.muli %arg0, %mul3A_416 : i32
    %add3A_418 = vector.broadcast %mul3A_417 : i32 to vector<1x128xi32>
    %add3A_419 = arith.addi %broadcast_in_dim3A_406, %add3A_418 : vector<1x128xi32>
    %broadcast_in_dim3A_420 = vector.shape_cast %add3A_419 : vector<1x128xi32> to vector<1x128xi32>
    %broadcast_in_dim3A_421 = vector.broadcast %broadcast_in_dim3A_420 : vector<1x128xi32> to vector<24x128xi32>
    %select_n3A_422 = arith.select %eq3A_415, %broadcast_in_dim3A_421, %select_n3A_390 : vector<24x128xi1>, vector<24x128xi32>
    %eq3A_423 = vector.broadcast %broadcast_in_dim3A_406 : vector<1x128xi32> to vector<400x128xi32>
    %eq3A_424 = arith.cmpi eq, %iota3A, %eq3A_423 : vector<400x128xi32>
    %jit3A_425 = arith.constant 0xFF800000 : f32
    %broadcast_in_dim3A_426 = vector.broadcast %jit3A_425 : f32 to vector<400x128xf32>
    %select_n3A_427 = arith.select %eq3A_424, %broadcast_in_dim3A_426, %select_n3A_395 : vector<400x128xi1>, vector<400x128xf32>
    %reduce_max3A_428 = arith.constant dense<0xFF800000> : vector<128xf32>
    %reduce_max3A_429 = vector.multi_reduction <maximumf>, %select_n3A_427, %reduce_max3A_428 [0] : vector<400x128xf32> to vector<128xf32>
    %broadcast_in_dim3A_430 = vector.shape_cast %reduce_max3A_429 : vector<128xf32> to vector<1x128xf32>
    %eq3A_431 = vector.broadcast %broadcast_in_dim3A_430 : vector<1x128xf32> to vector<400x128xf32>
    %eq3A_432 = arith.cmpf oeq, %select_n3A_427, %eq3A_431 : vector<400x128xf32>
    %jit3A_433 = arith.constant 1073741824 : i32
    %broadcast_in_dim3A_434 = vector.broadcast %jit3A_433 : i32 to vector<400x128xi32>
    %select_n3A_435 = arith.select %eq3A_432, %iota3A, %broadcast_in_dim3A_434 : vector<400x128xi1>, vector<400x128xi32>
    %reduce_min3A_436 = arith.constant dense<2147483647> : vector<128xi32>
    %reduce_min3A_437 = vector.multi_reduction <minsi>, %select_n3A_435, %reduce_min3A_436 [0] : vector<400x128xi32> to vector<128xi32>
    %broadcast_in_dim3A_438 = vector.shape_cast %reduce_min3A_437 : vector<128xi32> to vector<1x128xi32>
    %eq3A_439 = arith.constant 13 : i32
    %eq3A_440 = vector.broadcast %eq3A_439 : i32 to vector<24x128xi32>
    %eq3A_441 = arith.cmpi eq, %iota3A_14, %eq3A_440 : vector<24x128xi32>
    %broadcast_in_dim3A_442 = vector.shape_cast %broadcast_in_dim3A_430 : vector<1x128xf32> to vector<1x128xf32>
    %broadcast_in_dim3A_443 = vector.broadcast %broadcast_in_dim3A_442 : vector<1x128xf32> to vector<24x128xf32>
    %select_n3A_444 = arith.select %eq3A_441, %broadcast_in_dim3A_443, %select_n3A_412 : vector<24x128xi1>, vector<24x128xf32>
    %eq3A_445 = arith.constant 13 : i32
    %eq3A_446 = vector.broadcast %eq3A_445 : i32 to vector<24x128xi32>
    %eq3A_447 = arith.cmpi eq, %iota3A_14, %eq3A_446 : vector<24x128xi32>
    %mul3A_448 = arith.constant 400 : i32
    %mul3A_449 = arith.muli %arg0, %mul3A_448 : i32
    %add3A_450 = vector.broadcast %mul3A_449 : i32 to vector<1x128xi32>
    %add3A_451 = arith.addi %broadcast_in_dim3A_438, %add3A_450 : vector<1x128xi32>
    %broadcast_in_dim3A_452 = vector.shape_cast %add3A_451 : vector<1x128xi32> to vector<1x128xi32>
    %broadcast_in_dim3A_453 = vector.broadcast %broadcast_in_dim3A_452 : vector<1x128xi32> to vector<24x128xi32>
    %select_n3A_454 = arith.select %eq3A_447, %broadcast_in_dim3A_453, %select_n3A_422 : vector<24x128xi1>, vector<24x128xi32>
    %eq3A_455 = vector.broadcast %broadcast_in_dim3A_438 : vector<1x128xi32> to vector<400x128xi32>
    %eq3A_456 = arith.cmpi eq, %iota3A, %eq3A_455 : vector<400x128xi32>
    %jit3A_457 = arith.constant 0xFF800000 : f32
    %broadcast_in_dim3A_458 = vector.broadcast %jit3A_457 : f32 to vector<400x128xf32>
    %select_n3A_459 = arith.select %eq3A_456, %broadcast_in_dim3A_458, %select_n3A_427 : vector<400x128xi1>, vector<400x128xf32>
    %reduce_max3A_460 = arith.constant dense<0xFF800000> : vector<128xf32>
    %reduce_max3A_461 = vector.multi_reduction <maximumf>, %select_n3A_459, %reduce_max3A_460 [0] : vector<400x128xf32> to vector<128xf32>
    %broadcast_in_dim3A_462 = vector.shape_cast %reduce_max3A_461 : vector<128xf32> to vector<1x128xf32>
    %eq3A_463 = vector.broadcast %broadcast_in_dim3A_462 : vector<1x128xf32> to vector<400x128xf32>
    %eq3A_464 = arith.cmpf oeq, %select_n3A_459, %eq3A_463 : vector<400x128xf32>
    %jit3A_465 = arith.constant 1073741824 : i32
    %broadcast_in_dim3A_466 = vector.broadcast %jit3A_465 : i32 to vector<400x128xi32>
    %select_n3A_467 = arith.select %eq3A_464, %iota3A, %broadcast_in_dim3A_466 : vector<400x128xi1>, vector<400x128xi32>
    %reduce_min3A_468 = arith.constant dense<2147483647> : vector<128xi32>
    %reduce_min3A_469 = vector.multi_reduction <minsi>, %select_n3A_467, %reduce_min3A_468 [0] : vector<400x128xi32> to vector<128xi32>
    %broadcast_in_dim3A_470 = vector.shape_cast %reduce_min3A_469 : vector<128xi32> to vector<1x128xi32>
    %eq3A_471 = arith.constant 14 : i32
    %eq3A_472 = vector.broadcast %eq3A_471 : i32 to vector<24x128xi32>
    %eq3A_473 = arith.cmpi eq, %iota3A_14, %eq3A_472 : vector<24x128xi32>
    %broadcast_in_dim3A_474 = vector.shape_cast %broadcast_in_dim3A_462 : vector<1x128xf32> to vector<1x128xf32>
    %broadcast_in_dim3A_475 = vector.broadcast %broadcast_in_dim3A_474 : vector<1x128xf32> to vector<24x128xf32>
    %select_n3A_476 = arith.select %eq3A_473, %broadcast_in_dim3A_475, %select_n3A_444 : vector<24x128xi1>, vector<24x128xf32>
    %eq3A_477 = arith.constant 14 : i32
    %eq3A_478 = vector.broadcast %eq3A_477 : i32 to vector<24x128xi32>
    %eq3A_479 = arith.cmpi eq, %iota3A_14, %eq3A_478 : vector<24x128xi32>
    %mul3A_480 = arith.constant 400 : i32
    %mul3A_481 = arith.muli %arg0, %mul3A_480 : i32
    %add3A_482 = vector.broadcast %mul3A_481 : i32 to vector<1x128xi32>
    %add3A_483 = arith.addi %broadcast_in_dim3A_470, %add3A_482 : vector<1x128xi32>
    %broadcast_in_dim3A_484 = vector.shape_cast %add3A_483 : vector<1x128xi32> to vector<1x128xi32>
    %broadcast_in_dim3A_485 = vector.broadcast %broadcast_in_dim3A_484 : vector<1x128xi32> to vector<24x128xi32>
    %select_n3A_486 = arith.select %eq3A_479, %broadcast_in_dim3A_485, %select_n3A_454 : vector<24x128xi1>, vector<24x128xi32>
    %eq3A_487 = vector.broadcast %broadcast_in_dim3A_470 : vector<1x128xi32> to vector<400x128xi32>
    %eq3A_488 = arith.cmpi eq, %iota3A, %eq3A_487 : vector<400x128xi32>
    %jit3A_489 = arith.constant 0xFF800000 : f32
    %broadcast_in_dim3A_490 = vector.broadcast %jit3A_489 : f32 to vector<400x128xf32>
    %select_n3A_491 = arith.select %eq3A_488, %broadcast_in_dim3A_490, %select_n3A_459 : vector<400x128xi1>, vector<400x128xf32>
    %reduce_max3A_492 = arith.constant dense<0xFF800000> : vector<128xf32>
    %reduce_max3A_493 = vector.multi_reduction <maximumf>, %select_n3A_491, %reduce_max3A_492 [0] : vector<400x128xf32> to vector<128xf32>
    %broadcast_in_dim3A_494 = vector.shape_cast %reduce_max3A_493 : vector<128xf32> to vector<1x128xf32>
    %eq3A_495 = vector.broadcast %broadcast_in_dim3A_494 : vector<1x128xf32> to vector<400x128xf32>
    %eq3A_496 = arith.cmpf oeq, %select_n3A_491, %eq3A_495 : vector<400x128xf32>
    %jit3A_497 = arith.constant 1073741824 : i32
    %broadcast_in_dim3A_498 = vector.broadcast %jit3A_497 : i32 to vector<400x128xi32>
    %select_n3A_499 = arith.select %eq3A_496, %iota3A, %broadcast_in_dim3A_498 : vector<400x128xi1>, vector<400x128xi32>
    %reduce_min3A_500 = arith.constant dense<2147483647> : vector<128xi32>
    %reduce_min3A_501 = vector.multi_reduction <minsi>, %select_n3A_499, %reduce_min3A_500 [0] : vector<400x128xi32> to vector<128xi32>
    %broadcast_in_dim3A_502 = vector.shape_cast %reduce_min3A_501 : vector<128xi32> to vector<1x128xi32>
    %eq3A_503 = arith.constant 15 : i32
    %eq3A_504 = vector.broadcast %eq3A_503 : i32 to vector<24x128xi32>
    %eq3A_505 = arith.cmpi eq, %iota3A_14, %eq3A_504 : vector<24x128xi32>
    %broadcast_in_dim3A_506 = vector.shape_cast %broadcast_in_dim3A_494 : vector<1x128xf32> to vector<1x128xf32>
    %broadcast_in_dim3A_507 = vector.broadcast %broadcast_in_dim3A_506 : vector<1x128xf32> to vector<24x128xf32>
    %select_n3A_508 = arith.select %eq3A_505, %broadcast_in_dim3A_507, %select_n3A_476 : vector<24x128xi1>, vector<24x128xf32>
    %eq3A_509 = arith.constant 15 : i32
    %eq3A_510 = vector.broadcast %eq3A_509 : i32 to vector<24x128xi32>
    %eq3A_511 = arith.cmpi eq, %iota3A_14, %eq3A_510 : vector<24x128xi32>
    %mul3A_512 = arith.constant 400 : i32
    %mul3A_513 = arith.muli %arg0, %mul3A_512 : i32
    %add3A_514 = vector.broadcast %mul3A_513 : i32 to vector<1x128xi32>
    %add3A_515 = arith.addi %broadcast_in_dim3A_502, %add3A_514 : vector<1x128xi32>
    %broadcast_in_dim3A_516 = vector.shape_cast %add3A_515 : vector<1x128xi32> to vector<1x128xi32>
    %broadcast_in_dim3A_517 = vector.broadcast %broadcast_in_dim3A_516 : vector<1x128xi32> to vector<24x128xi32>
    %select_n3A_518 = arith.select %eq3A_511, %broadcast_in_dim3A_517, %select_n3A_486 : vector<24x128xi1>, vector<24x128xi32>
    %eq3A_519 = vector.broadcast %broadcast_in_dim3A_502 : vector<1x128xi32> to vector<400x128xi32>
    %eq3A_520 = arith.cmpi eq, %iota3A, %eq3A_519 : vector<400x128xi32>
    %jit3A_521 = arith.constant 0xFF800000 : f32
    %broadcast_in_dim3A_522 = vector.broadcast %jit3A_521 : f32 to vector<400x128xf32>
    %select_n3A_523 = arith.select %eq3A_520, %broadcast_in_dim3A_522, %select_n3A_491 : vector<400x128xi1>, vector<400x128xf32>
    %reduce_max3A_524 = arith.constant dense<0xFF800000> : vector<128xf32>
    %reduce_max3A_525 = vector.multi_reduction <maximumf>, %select_n3A_523, %reduce_max3A_524 [0] : vector<400x128xf32> to vector<128xf32>
    %broadcast_in_dim3A_526 = vector.shape_cast %reduce_max3A_525 : vector<128xf32> to vector<1x128xf32>
    %eq3A_527 = vector.broadcast %broadcast_in_dim3A_526 : vector<1x128xf32> to vector<400x128xf32>
    %eq3A_528 = arith.cmpf oeq, %select_n3A_523, %eq3A_527 : vector<400x128xf32>
    %jit3A_529 = arith.constant 1073741824 : i32
    %broadcast_in_dim3A_530 = vector.broadcast %jit3A_529 : i32 to vector<400x128xi32>
    %select_n3A_531 = arith.select %eq3A_528, %iota3A, %broadcast_in_dim3A_530 : vector<400x128xi1>, vector<400x128xi32>
    %reduce_min3A_532 = arith.constant dense<2147483647> : vector<128xi32>
    %reduce_min3A_533 = vector.multi_reduction <minsi>, %select_n3A_531, %reduce_min3A_532 [0] : vector<400x128xi32> to vector<128xi32>
    %broadcast_in_dim3A_534 = vector.shape_cast %reduce_min3A_533 : vector<128xi32> to vector<1x128xi32>
    %eq3A_535 = arith.constant 16 : i32
    %eq3A_536 = vector.broadcast %eq3A_535 : i32 to vector<24x128xi32>
    %eq3A_537 = arith.cmpi eq, %iota3A_14, %eq3A_536 : vector<24x128xi32>
    %broadcast_in_dim3A_538 = vector.shape_cast %broadcast_in_dim3A_526 : vector<1x128xf32> to vector<1x128xf32>
    %broadcast_in_dim3A_539 = vector.broadcast %broadcast_in_dim3A_538 : vector<1x128xf32> to vector<24x128xf32>
    %select_n3A_540 = arith.select %eq3A_537, %broadcast_in_dim3A_539, %select_n3A_508 : vector<24x128xi1>, vector<24x128xf32>
    %eq3A_541 = arith.constant 16 : i32
    %eq3A_542 = vector.broadcast %eq3A_541 : i32 to vector<24x128xi32>
    %eq3A_543 = arith.cmpi eq, %iota3A_14, %eq3A_542 : vector<24x128xi32>
    %mul3A_544 = arith.constant 400 : i32
    %mul3A_545 = arith.muli %arg0, %mul3A_544 : i32
    %add3A_546 = vector.broadcast %mul3A_545 : i32 to vector<1x128xi32>
    %add3A_547 = arith.addi %broadcast_in_dim3A_534, %add3A_546 : vector<1x128xi32>
    %broadcast_in_dim3A_548 = vector.shape_cast %add3A_547 : vector<1x128xi32> to vector<1x128xi32>
    %broadcast_in_dim3A_549 = vector.broadcast %broadcast_in_dim3A_548 : vector<1x128xi32> to vector<24x128xi32>
    %select_n3A_550 = arith.select %eq3A_543, %broadcast_in_dim3A_549, %select_n3A_518 : vector<24x128xi1>, vector<24x128xi32>
    %eq3A_551 = vector.broadcast %broadcast_in_dim3A_534 : vector<1x128xi32> to vector<400x128xi32>
    %eq3A_552 = arith.cmpi eq, %iota3A, %eq3A_551 : vector<400x128xi32>
    %jit3A_553 = arith.constant 0xFF800000 : f32
    %broadcast_in_dim3A_554 = vector.broadcast %jit3A_553 : f32 to vector<400x128xf32>
    %select_n3A_555 = arith.select %eq3A_552, %broadcast_in_dim3A_554, %select_n3A_523 : vector<400x128xi1>, vector<400x128xf32>
    %reduce_max3A_556 = arith.constant dense<0xFF800000> : vector<128xf32>
    %reduce_max3A_557 = vector.multi_reduction <maximumf>, %select_n3A_555, %reduce_max3A_556 [0] : vector<400x128xf32> to vector<128xf32>
    %broadcast_in_dim3A_558 = vector.shape_cast %reduce_max3A_557 : vector<128xf32> to vector<1x128xf32>
    %eq3A_559 = vector.broadcast %broadcast_in_dim3A_558 : vector<1x128xf32> to vector<400x128xf32>
    %eq3A_560 = arith.cmpf oeq, %select_n3A_555, %eq3A_559 : vector<400x128xf32>
    %jit3A_561 = arith.constant 1073741824 : i32
    %broadcast_in_dim3A_562 = vector.broadcast %jit3A_561 : i32 to vector<400x128xi32>
    %select_n3A_563 = arith.select %eq3A_560, %iota3A, %broadcast_in_dim3A_562 : vector<400x128xi1>, vector<400x128xi32>
    %reduce_min3A_564 = arith.constant dense<2147483647> : vector<128xi32>
    %reduce_min3A_565 = vector.multi_reduction <minsi>, %select_n3A_563, %reduce_min3A_564 [0] : vector<400x128xi32> to vector<128xi32>
    %broadcast_in_dim3A_566 = vector.shape_cast %reduce_min3A_565 : vector<128xi32> to vector<1x128xi32>
    %eq3A_567 = arith.constant 17 : i32
    %eq3A_568 = vector.broadcast %eq3A_567 : i32 to vector<24x128xi32>
    %eq3A_569 = arith.cmpi eq, %iota3A_14, %eq3A_568 : vector<24x128xi32>
    %broadcast_in_dim3A_570 = vector.shape_cast %broadcast_in_dim3A_558 : vector<1x128xf32> to vector<1x128xf32>
    %broadcast_in_dim3A_571 = vector.broadcast %broadcast_in_dim3A_570 : vector<1x128xf32> to vector<24x128xf32>
    %select_n3A_572 = arith.select %eq3A_569, %broadcast_in_dim3A_571, %select_n3A_540 : vector<24x128xi1>, vector<24x128xf32>
    %eq3A_573 = arith.constant 17 : i32
    %eq3A_574 = vector.broadcast %eq3A_573 : i32 to vector<24x128xi32>
    %eq3A_575 = arith.cmpi eq, %iota3A_14, %eq3A_574 : vector<24x128xi32>
    %mul3A_576 = arith.constant 400 : i32
    %mul3A_577 = arith.muli %arg0, %mul3A_576 : i32
    %add3A_578 = vector.broadcast %mul3A_577 : i32 to vector<1x128xi32>
    %add3A_579 = arith.addi %broadcast_in_dim3A_566, %add3A_578 : vector<1x128xi32>
    %broadcast_in_dim3A_580 = vector.shape_cast %add3A_579 : vector<1x128xi32> to vector<1x128xi32>
    %broadcast_in_dim3A_581 = vector.broadcast %broadcast_in_dim3A_580 : vector<1x128xi32> to vector<24x128xi32>
    %select_n3A_582 = arith.select %eq3A_575, %broadcast_in_dim3A_581, %select_n3A_550 : vector<24x128xi1>, vector<24x128xi32>
    %eq3A_583 = vector.broadcast %broadcast_in_dim3A_566 : vector<1x128xi32> to vector<400x128xi32>
    %eq3A_584 = arith.cmpi eq, %iota3A, %eq3A_583 : vector<400x128xi32>
    %jit3A_585 = arith.constant 0xFF800000 : f32
    %broadcast_in_dim3A_586 = vector.broadcast %jit3A_585 : f32 to vector<400x128xf32>
    %select_n3A_587 = arith.select %eq3A_584, %broadcast_in_dim3A_586, %select_n3A_555 : vector<400x128xi1>, vector<400x128xf32>
    %reduce_max3A_588 = arith.constant dense<0xFF800000> : vector<128xf32>
    %reduce_max3A_589 = vector.multi_reduction <maximumf>, %select_n3A_587, %reduce_max3A_588 [0] : vector<400x128xf32> to vector<128xf32>
    %broadcast_in_dim3A_590 = vector.shape_cast %reduce_max3A_589 : vector<128xf32> to vector<1x128xf32>
    %eq3A_591 = vector.broadcast %broadcast_in_dim3A_590 : vector<1x128xf32> to vector<400x128xf32>
    %eq3A_592 = arith.cmpf oeq, %select_n3A_587, %eq3A_591 : vector<400x128xf32>
    %jit3A_593 = arith.constant 1073741824 : i32
    %broadcast_in_dim3A_594 = vector.broadcast %jit3A_593 : i32 to vector<400x128xi32>
    %select_n3A_595 = arith.select %eq3A_592, %iota3A, %broadcast_in_dim3A_594 : vector<400x128xi1>, vector<400x128xi32>
    %reduce_min3A_596 = arith.constant dense<2147483647> : vector<128xi32>
    %reduce_min3A_597 = vector.multi_reduction <minsi>, %select_n3A_595, %reduce_min3A_596 [0] : vector<400x128xi32> to vector<128xi32>
    %broadcast_in_dim3A_598 = vector.shape_cast %reduce_min3A_597 : vector<128xi32> to vector<1x128xi32>
    %eq3A_599 = arith.constant 18 : i32
    %eq3A_600 = vector.broadcast %eq3A_599 : i32 to vector<24x128xi32>
    %eq3A_601 = arith.cmpi eq, %iota3A_14, %eq3A_600 : vector<24x128xi32>
    %broadcast_in_dim3A_602 = vector.shape_cast %broadcast_in_dim3A_590 : vector<1x128xf32> to vector<1x128xf32>
    %broadcast_in_dim3A_603 = vector.broadcast %broadcast_in_dim3A_602 : vector<1x128xf32> to vector<24x128xf32>
    %select_n3A_604 = arith.select %eq3A_601, %broadcast_in_dim3A_603, %select_n3A_572 : vector<24x128xi1>, vector<24x128xf32>
    %eq3A_605 = arith.constant 18 : i32
    %eq3A_606 = vector.broadcast %eq3A_605 : i32 to vector<24x128xi32>
    %eq3A_607 = arith.cmpi eq, %iota3A_14, %eq3A_606 : vector<24x128xi32>
    %mul3A_608 = arith.constant 400 : i32
    %mul3A_609 = arith.muli %arg0, %mul3A_608 : i32
    %add3A_610 = vector.broadcast %mul3A_609 : i32 to vector<1x128xi32>
    %add3A_611 = arith.addi %broadcast_in_dim3A_598, %add3A_610 : vector<1x128xi32>
    %broadcast_in_dim3A_612 = vector.shape_cast %add3A_611 : vector<1x128xi32> to vector<1x128xi32>
    %broadcast_in_dim3A_613 = vector.broadcast %broadcast_in_dim3A_612 : vector<1x128xi32> to vector<24x128xi32>
    %select_n3A_614 = arith.select %eq3A_607, %broadcast_in_dim3A_613, %select_n3A_582 : vector<24x128xi1>, vector<24x128xi32>
    %eq3A_615 = vector.broadcast %broadcast_in_dim3A_598 : vector<1x128xi32> to vector<400x128xi32>
    %eq3A_616 = arith.cmpi eq, %iota3A, %eq3A_615 : vector<400x128xi32>
    %jit3A_617 = arith.constant 0xFF800000 : f32
    %broadcast_in_dim3A_618 = vector.broadcast %jit3A_617 : f32 to vector<400x128xf32>
    %select_n3A_619 = arith.select %eq3A_616, %broadcast_in_dim3A_618, %select_n3A_587 : vector<400x128xi1>, vector<400x128xf32>
    %reduce_max3A_620 = arith.constant dense<0xFF800000> : vector<128xf32>
    %reduce_max3A_621 = vector.multi_reduction <maximumf>, %select_n3A_619, %reduce_max3A_620 [0] : vector<400x128xf32> to vector<128xf32>
    %broadcast_in_dim3A_622 = vector.shape_cast %reduce_max3A_621 : vector<128xf32> to vector<1x128xf32>
    %eq3A_623 = vector.broadcast %broadcast_in_dim3A_622 : vector<1x128xf32> to vector<400x128xf32>
    %eq3A_624 = arith.cmpf oeq, %select_n3A_619, %eq3A_623 : vector<400x128xf32>
    %jit3A_625 = arith.constant 1073741824 : i32
    %broadcast_in_dim3A_626 = vector.broadcast %jit3A_625 : i32 to vector<400x128xi32>
    %select_n3A_627 = arith.select %eq3A_624, %iota3A, %broadcast_in_dim3A_626 : vector<400x128xi1>, vector<400x128xi32>
    %reduce_min3A_628 = arith.constant dense<2147483647> : vector<128xi32>
    %reduce_min3A_629 = vector.multi_reduction <minsi>, %select_n3A_627, %reduce_min3A_628 [0] : vector<400x128xi32> to vector<128xi32>
    %broadcast_in_dim3A_630 = vector.shape_cast %reduce_min3A_629 : vector<128xi32> to vector<1x128xi32>
    %eq3A_631 = arith.constant 19 : i32
    %eq3A_632 = vector.broadcast %eq3A_631 : i32 to vector<24x128xi32>
    %eq3A_633 = arith.cmpi eq, %iota3A_14, %eq3A_632 : vector<24x128xi32>
    %broadcast_in_dim3A_634 = vector.shape_cast %broadcast_in_dim3A_622 : vector<1x128xf32> to vector<1x128xf32>
    %broadcast_in_dim3A_635 = vector.broadcast %broadcast_in_dim3A_634 : vector<1x128xf32> to vector<24x128xf32>
    %select_n3A_636 = arith.select %eq3A_633, %broadcast_in_dim3A_635, %select_n3A_604 : vector<24x128xi1>, vector<24x128xf32>
    %eq3A_637 = arith.constant 19 : i32
    %eq3A_638 = vector.broadcast %eq3A_637 : i32 to vector<24x128xi32>
    %eq3A_639 = arith.cmpi eq, %iota3A_14, %eq3A_638 : vector<24x128xi32>
    %mul3A_640 = arith.constant 400 : i32
    %mul3A_641 = arith.muli %arg0, %mul3A_640 : i32
    %add3A_642 = vector.broadcast %mul3A_641 : i32 to vector<1x128xi32>
    %add3A_643 = arith.addi %broadcast_in_dim3A_630, %add3A_642 : vector<1x128xi32>
    %broadcast_in_dim3A_644 = vector.shape_cast %add3A_643 : vector<1x128xi32> to vector<1x128xi32>
    %broadcast_in_dim3A_645 = vector.broadcast %broadcast_in_dim3A_644 : vector<1x128xi32> to vector<24x128xi32>
    %select_n3A_646 = arith.select %eq3A_639, %broadcast_in_dim3A_645, %select_n3A_614 : vector<24x128xi1>, vector<24x128xi32>
    %swap3A_647 = arith.constant 0 : index
    %swap3A_648 = arith.constant 0 : index
    %swap3A_649 = vector.load %arg5[%swap3A_647, %swap3A_648] : memref<24x128xf32, #tpu.memory_space<vmem>>, vector<24x128xf32>
    tpu.vector_store %arg5[%swap3A_647, %swap3A_648], %select_n3A_636 {strides = array<i32>} : memref<24x128xf32, #tpu.memory_space<vmem>>, vector<24x128xf32>,
    %swap3A_650 = arith.constant 0 : index
    %swap3A_651 = arith.constant 0 : index
    %swap3A_652 = vector.load %arg6[%swap3A_650, %swap3A_651] : memref<24x128xi32, #tpu.memory_space<vmem>>, vector<24x128xi32>
    tpu.vector_store %arg6[%swap3A_650, %swap3A_651], %select_n3A_646 {strides = array<i32>} : memref<24x128xi32, #tpu.memory_space<vmem>>, vector<24x128xi32>,
    return
  }
  func.func @transform_0(%arg0: i32) -> (i32, i32) {
    %c0_i32 = arith.constant 0 : i32
    %c0_i32_0 = arith.constant 0 : i32
    %c0_i32_1 = arith.constant 0 : i32
    return %c0_i32, %c0_i32_0 : i32, i32
  }
  func.func @transform_1(%arg0: i32) -> (i32, i32, i32) {
    %c0_i32 = arith.constant 0 : i32
    %c0_i32_0 = arith.constant 0 : i32
    %c0_i32_1 = arith.constant 0 : i32
    return %c0_i32, %arg0, %c0_i32_0 : i32, i32, i32
  }
  func.func @transform_2(%arg0: i32) -> (i32, i32) {
    %c0_i32 = arith.constant 0 : i32
    %c0_i32_0 = arith.constant 0 : i32
    return %arg0, %c0_i32 : i32, i32
  }
  func.func @transform_3(%arg0: i32) -> (i32, i32) {
    %c0_i32 = arith.constant 0 : i32
    %c0_i32_0 = arith.constant 0 : i32
    return %arg0, %c0_i32 : i32, i32
  }
  func.func @transform_4(%arg0: i32) -> (i32, i32) {
    %c0_i32 = arith.constant 0 : i32
    %c0_i32_0 = arith.constant 0 : i32
    return %arg0, %c0_i32 : i32, i32
  }
  func.func @transform_5(%arg0: i32) -> (i32, i32) {
    %c0_i32 = arith.constant 0 : i32
    %c0_i32_0 = arith.constant 0 : i32
    return %arg0, %c0_i32 : i32, i32
  }
}

</mosaic_0001>

<sc_bundles>
// kernel: kernel.4.cloned.1.call-start
scs
__scs_entry_jumppad:
0x0: {  	(pc) =	sbr.rel $0x88, $3  }
0x1: {  	(tag) =	ssettag $0x0;
	lr =	simm.s32 $0x1  }
0x2: {  	[smem:$0x3F9E] =	sst lr;
	_ =	strace $0xD0000000  }
0x3: {  	_ = 	snop  }
0x4: {  	_ = 	snop  }
0x5: {  	_ = 	snop  }
0x6: {  	_ = 	snop  }
0x7: {  	_ = 	snop  }
__scs_overlays_trampoline_lowered:
0x8: {  	[smem:$0x3FAD] =	sst s0  }
0x9: {  	[smem:$0x3FAE] =	sst s1  }
0xa: {  	[smem:$0x3FAF] =	sst s2  }
0xb: {  	[smem:$0x3FB0] =	sst s3  }
0xc: {  	[smem:$0x3FB1] =	sst s4  }
0xd: {  	[smem:$0x3FB2] =	sst s5  }
0xe: {  	[smem:$0x3FB3] =	sst s6  }
0xf: {  	[smem:$0x3FB4] =	sst s7  }
0x10: {  	[smem:$0x3FB5] =	sst s8  }
0x11: {  	[smem:$0x3FB6] =	sst s9;
	s0 =	simm.s32 @!p0 $0x0  }
0x12: {  	s1 =	sld [smem:$0x3F9C];
	s0 =	simm.s32 @p0 $0x1  }
0x13: {  	[smem:$0x3FB7] =	sst s0;
	s0 =	simm.s32 @!p1 $0x0  }
0x14: {  	s2 =	sld [smem:$0x3F9B];
	s0 =	simm.s32 @p1 $0x1  }
0x15: {  	[smem:$0x3FB8] =	sst s0;
	s0 =	simm.s32 @!p2 $0x0  }
0x16: {  	s3 =	sld [smem:$0x3FDB];
	s0 =	simm.s32 @p2 $0x1  }
0x17: {  	s4 =	simm.s32 $0x1BF5;
	[smem:$0x3FBA] =	sst s0  }
0x18: {  	s0 =	sld [smem:$0x3F9D];
	_ =	swait.ge [sflag:s4], $0x0  }
0x19: {  	s7 =	sld [smem:$0x3F9E]  }
0x1a: {  	s8 =	sadd.s32 $0xFFFFE003, lr  }
0x1b: {  	s9 =	sadd.s32 $0xFFFFFEF7, lr;
	s5 =	simm.s32 $0xFFFFFFFF;
	p2 =	slt.u32 s8, $0xFFFFF086  }
0x1c: {  	p1 =	slt.u32 s9, $0xF7A;
	s5 =	simm.s32 @!p2 $0x0  }
0x1d: {  	s5 =	simm.s32 @p1 $0x1;
	p0 =	seq.s32 s7, s2  }
0x1e: {  	s7 =	smul.u32 @!p0 $0xF7A, s2;
	p2 =	seq.s32 @!p0 s5, $0x0  }
0x1f: {  	s9 =	smul.u32 $0xF7A, s1;
	s8 =	simm.s32 @!p0 $0x1BF5;
	p2 =	por !p2, p0  }
0x20: {  	[sflag:s8] =	ssyncset.s32 @!p0 $0xFFFFF086;
	s6 =	sadd.s32 @!p0 s3, s7;
	s7 =	simm.s32 @!p0 $0x108  }
0x21: {  	s3 =	sadd.s32 s3, s9;
	s6 =	sadd.s32 @!p0 $0x88, s6;
	s7 =	simm.s32 @p2 $0x1082  }
0x22: {  	[simem:s7], [sflag:s8] =	dma.local @!p0 [hbm:s6], $0xF7A  }
0x23: {  	s9 =	sor.u32 $0xD0000000, s2;
	s6 =	simm.s32 $0x108;
	_ =	swait.ge @!p0 [sflag:s8], $0x0  }
0x24: {  	s3 =	sadd.s32 $0x88, s3;
	s6 =	simm.s32 @!p1 $0x1082;
	[sflag:s4] =	ssyncset.s32 $0xFFFFF086  }
0x25: {  	[simem:s6], [sflag:s4] =	dma.local [hbm:s3], $0xF7A  }
0x26: {  	[smem:$0x3F9E] =	sst s1;
	(tag) =	ssettag s2;
	_ =	strace s9  }
0x27: {  	s1 =	sld [smem:$0x3FAE]  }
0x28: {  	s2 =	sld [smem:$0x3FAF]  }
0x29: {  	s4 =	sld [smem:$0x3FB1]  }
0x2a: {  	p0 =	seq.s32 s5, $0x0;
	s5 =	sld [smem:$0x3FB2]  }
0x2b: {  	s6 =	sld [smem:$0x3FB3]  }
0x2c: {  	s7 =	sld [smem:$0x3FB4]  }
0x2d: {  	s3 =	simm.s32 $0x108;
	s8 =	sld [smem:$0x3FB5]  }
0x2e: {  	s3 =	simm.s32 @!p0 $0x1082;
	s9 =	sld [smem:$0x3FB6]  }
0x2f: {  	lr =	sadd.s32 s0, s3;
	s0 =	sld [smem:$0x3FAD]  }
0x30: {  	s3 =	sld [smem:$0x3FB0]  }
0x31: {  	[smem:$0x3FB9] =	sst s10  }
0x32: {  	s10 =	sld [smem:$0x3FB7];
	_ =	sdelay $0x3  }
0x33: {  	p0 =	seq.s32 s10, $0x1;
	s10 =	sld [smem:$0x3FB9];
	_ =	sdelay $0x3  }
0x34: {  	[smem:$0x3FB9] =	sst s10  }
0x35: {  	s10 =	sld [smem:$0x3FB8];
	_ =	sdelay $0x3  }
0x36: {  	p1 =	seq.s32 s10, $0x1;
	s10 =	sld [smem:$0x3FB9];
	_ =	sdelay $0x3  }
0x37: {  	[smem:$0x3FB9] =	sst s10  }
0x38: {  	s10 =	sld [smem:$0x3FBA]  }
0x39: {  	_ = 	snop;
	(pc) =	sbr.ind lr, $3  }
0x3a: {  	_ = 	snop  }
0x3b: {  	_ = 	snop  }
0x3c: {  	p2 =	seq.s32 s10, $0x1;
	s10 =	sld [smem:$0x3FB9]  }
0x3d: {  	_ =	shalt  }
0x3e: {  	_ =	shalt  }
0x3f: {  	_ =	shalt  }
0x40: {  	_ =	shalt  }
0x41: {  	_ =	shalt  }
0x42: {  	_ =	shalt  }
0x43: {  	_ =	shalt  }
0x44: {  	_ =	shalt  }
0x45: {  	_ =	shalt  }
0x46: {  	_ =	shalt  }
0x47: {  	_ =	shalt  }
0x48: {  	_ =	shalt  }
0x49: {  	_ =	shalt  }
0x4a: {  	_ =	shalt  }
0x4b: {  	_ =	shalt  }
0x4c: {  	_ =	shalt  }
0x4d: {  	_ =	shalt  }
0x4e: {  	_ =	shalt  }
0x4f: {  	_ =	shalt  }
0x50: {  	_ =	shalt  }
0x51: {  	_ =	shalt  }
0x52: {  	_ =	shalt  }
0x53: {  	_ =	shalt  }
0x54: {  	_ =	shalt  }
0x55: {  	_ =	shalt  }
0x56: {  	_ =	shalt  }
0x57: {  	_ =	shalt  }
0x58: {  	_ =	shalt  }
0x59: {  	_ =	shalt  }
0x5a: {  	_ =	shalt  }
0x5b: {  	_ =	shalt  }
0x5c: {  	_ =	shalt  }
0x5d: {  	_ =	shalt  }
0x5e: {  	_ =	shalt  }
0x5f: {  	_ =	shalt  }
0x60: {  	_ =	shalt  }
0x61: {  	_ =	shalt  }
0x62: {  	_ =	shalt  }
0x63: {  	_ =	shalt  }
0x64: {  	_ =	shalt  }
0x65: {  	_ =	shalt  }
0x66: {  	_ =	shalt  }
0x67: {  	_ =	shalt  }
0x68: {  	_ =	shalt  }
0x69: {  	_ =	shalt  }
0x6a: {  	_ =	shalt  }
0x6b: {  	_ =	shalt  }
0x6c: {  	_ =	shalt  }
0x6d: {  	_ =	shalt  }
0x6e: {  	_ =	shalt  }
0x6f: {  	_ =	shalt  }
0x70: {  	_ =	shalt  }
0x71: {  	_ =	shalt  }
0x72: {  	_ =	shalt  }
0x73: {  	_ =	shalt  }
0x74: {  	_ =	shalt  }
0x75: {  	_ =	shalt  }
0x76: {  	_ =	shalt  }
0x77: {  	_ =	shalt  }
0x78: {  	_ =	shalt  }
0x79: {  	_ =	shalt  }
0x7a: {  	_ =	shalt  }
0x7b: {  	_ =	shalt  }
0x7c: {  	_ =	shalt  }
0x7d: {  	_ =	shalt  }
0x7e: {  	_ =	shalt  }
0x7f: {  	_ =	shalt  }
0x80: {  	_ =	shalt  }
0x81: {  	_ =	shalt  }
0x82: {  	_ =	shalt  }
0x83: {  	_ =	shalt  }
0x84: {  	_ =	shalt  }
0x85: {  	_ =	shalt  }
0x86: {  	_ =	shalt  }
0x87: {  	_ =	shalt  }
.Lfunc_end0:
.L_simem_size_0:
called_computation_lowered:
.L_overlay_start_0:
0x88: {  	s2 =	sld [smem:$0x3FD9]  }
0x89: {  	s3 =	sld [smem:$0x3FFE];
	_ =	sdelay $0x1  }
0x8a: {  	s1 =	srdreg.scid  }
0x8b: {  	s0 =	sand.u32 $0x1, s1  }
0x8c: {  	s14 =	sshll.u32 s0, $0xA;
	s2 =	sadd.s32 s3, s2  }
0x8d: {  	s2 =	sadd.s32 s2, s14  }
0x8e: {  	[smem:$0x3FC5] =	sst s2  }
0x8f: {  	_ = 	snop  }
0x90: {  	s2 =	sld [smem:$0x3FD0];
	_ =	sdelay $0x2  }
0x91: {  	s15 =	simm.s32 $0xA;
	s4 =	simm.s32 $0x10  }
0x92: {  	[smem:s4], [sflag:s15] =	dma.local [hbm:s2], $0x1  }
0x93: {  	_ =	swait.eq [sflag:s15], $0x1  }
0x94: {  	s16 =	sld [smem:$0x11];
	[sflag:s15] =	ssyncset.done $0x0  }
0x95: {  	s17 =	sld [smem:$0x12];
	[sflag:s15] =	ssyncadd.s32 $0xFFFFFFFF  }
0x96: {  	s18 =	sld [smem:$0x13];
	(tm) =	ssettm $0x1  }
0x97: {  	s5 =	sld [smem:$0x3FFB];
	_ =	sdelay $0x3  }
0x98: {  	_ =	strace s5  }
0x99: {  	s5 =	sld [smem:$0x3FFC];
	_ =	sdelay $0x3  }
0x9a: {  	_ =	strace s5  }
0x9b: {  	s5 =	sld [smem:$0x3FFD];
	_ =	sdelay $0x3  }
0x9c: {  	_ =	strace s5  }
0x9d: {  	_ =	strace $0x8FFFFFFF  }
0x9e: {  	s19 =	sld [smem:$0x3FDB];
	_ =	sdelay $0x1  }
0x9f: {  	s6 =	simm.s32 $_scs_section_size  }
0xa0: {  	s7 =	simm.s32 $_size__tile_overlayer_lowered;
	s8 =	simm.s32 $_tile_overlayer_lowered  }
0xa1: {  	s22 =	simm.s32 $0x1BFF;
	s21 =	sshll.u32 s8, $0x1;
	s5 =	sadd.s32 s6, s19  }
0xa2: {  	s9 =	simm.s32 $0x0;
	s20 =	sshll.u32 s7, $0x1;
	s7 =	sadd.s32 s21, s5  }
0xa3: {  	[timem:s9], [sflag:s22] =	dma.local [hbm:s7], s20  }
0xa4: {  	_ =	swait.ge [sflag:s22], s20  }
0xa5: {  	s6 =	ssub.s32 $0x0, s20;
	[sflag:s22] =	ssyncset.done $0x0  }
0xa6: {  	[sflag:s22] =	ssyncadd.s32 s6;
	_ =	sdelay $0x1  }
0xa7: {  	s23 =	simm.s32 $0x1B8B  }
0xa8: {  	_ =	swait.ge [sflag:s23], $0x1  }
0xa9: {  	[sflag:s23] =	ssyncset.done $0x0  }
0xaa: {  	s25 =	simm.s32 $0x1B8E;
	s24 =	sld [smem:$0x3FFE];
	[sflag:s23] =	ssyncadd.s32 $0xFFFFFFFF  }
0xab: {  	s26 =	simm.s32 $execute0_lowered;
	[smem:$0x3FD2] =	sst s25  }
0xac: {  	s7 =	sshll.u32 s26, $0x1;
	_ =	strace $0x80000046;
	[dreg:$0x1] =	wrdreg $0xFFFFFFFF  }
0xad: {  	s28 =	simm.s32 $_size_execute0_lowered;
	s5 =	sadd.s32 s5, s7;
	[dreg:$0x0] =	wrdreg $0x0  }
0xae: {  	s7 =	sshll.u32 s28, $0x1;
	[dreg:$0x2] =	wrdreg s5  }
0xaf: {  	[dreg:$0x3] =	wrdreg s7  }
0xb0: {  	[dreg:$0x4] =	wrdreg $0xC0  }
0xb1: {  	_ =	task [dreg:s9], $0x5FFFF  }
0xb2: {  	[dreg:$0x1] =	wrdreg $0xFFFFFFFF  }
0xb3: {  	[dreg:$0x0] =	wrdreg $0x60  }
0xb4: {  	[dreg:$0x2] =	wrdreg s16  }
0xb5: {  	[dreg:$0x3] =	wrdreg s24  }
0xb6: {  	[dreg:$0x4] =	wrdreg s17  }
0xb7: {  	[dreg:$0x5] =	wrdreg s18  }
0xb8: {  	[dreg:$0x6] =	wrdreg $0x9  }
0xb9: {  	_ =	task.clear_ibuf [dreg:s9], $0x7FFFF;
	_ =	strace $0x90000046  }
0xba: {  	s29 =	simm.s32 $0x9;
	_ =	strace $0x80000048  }
0xbb: {  	_ =	swait.ge [sflag:s29], $0x1  }
0xbc: {  	[sflag:s29] =	ssyncadd.s32 $0xFFFFFFFF  }
0xbd: {  	_ =	strace $0x90000048  }
0xbe: {  	_ =	sfence  }
0xbf: {  	s30 =	sld [smem:$0x0];
	_ =	sdelay $0x2  }
0xc0: {  	s31 =	sshll.u32 s1, $0xD;
	s1 =	sshrl.u32 s1, $0x2  }
0xc1: {  	s3 =	sand.u32 $0x4000, s31;
	s1 =	sadd.s32 s1, s30  }
0xc2: {  	s0 =	sor.u32 s3, s0;
	s1 =	sshll.u32 s1, $0x11  }
0xc3: {  	s0 =	sor.u32 s1, s0  }
0xc4: {  	s0 =	sadd.s32 $0x8F2B, s0  }
0xc5: {  	[sflag:s0] =	ssyncadd.remote.s32 $0x1  }
0xc6: {  	_ =	sfence.sel $0xFFFF  }
0xc7: {  	[dreg:$0x0] =	wrdreg $0xFFFFFFFF;
	(pc) =	sbr.abs _section_cstart, $3  }
0xc8: {  	[dreg:$0x1] =	wrdreg $0xFFFFFFFF  }
0xc9: {  	_ =	task.clear_ibuf [dreg:s9], $0x2FFFF;
	_ =	strace $0x9FFFFFFF  }
0xca: {  	(tm) =	ssettm $0x7FFFFFFF  }
0xcb: {  	_ =	shalt  }
tec
execute0_lowered:
.L_overlay_start_1:
0x0: {  	(tag) =	ssettag $0x1  }
0x1: {  	s0 =	srdreg.scid  }
0x2: {  	s7 =	sand.u32 $0x1, s0  }
0x3: {  	s1 =	stileid.u32;
	s8 =	sshll.u32 s7, $0x4  }
0x4: {  	s8 =	sor.u32 s1, s8  }
0x5: {  	s6 =	rddreg [dreg:$0x0];
	p0 =	sgt.u32 s8, $0x7  }
.Ltmp0:
0x6: {  	s3 =	rddreg [dreg:$0x1];
	(pc) =	sbr.rel @p0 .LBB2_9-.Ltmp0, $4  }
0x7: {  	s4 =	rddreg [dreg:$0x2]  }
0x8: {  	s5 =	rddreg [dreg:$0x3];
	s2 =	simm.s32 $0x0  }
0x9: {  	[smem:$0x7FF] =	sst s2  }
0xa: {  	s0 =	rddreg [dreg:$0x4];
	_ =	strace $0x80000047  }
0xb: {  	s8 =	sshll.u32 s1, $0x1;
	s7 =	ssub.s32 $0x2, s7;
	s10 =	simm.s32 $0x2600  }
0xc: {  	s11 =	simm.s32 $0x4B80;
	s12 =	simm.s32 $0x80;
	s13 =	simm.s32 $0x4DE0  }
0xd: {  	s14 =	simm.s32 $0x4F20;
	s15 =	simm.s32 $0x0;
	s3 =	sadd.s32 s8, s3  }
0xe: {  	s4 =	sadd.s32 s4, s8;
	s9 =	sshrl.u32 s7, $0x1;
	s5 =	sadd.s32 s5, s8  }
0xf: {  	s6 =	sadd.s32 s6, s8;
	s8 =	simm.s32 $0x10;
	s7 =	ssub.s32 s7, s9  }
0x10: {  	v0 =	vimm.f32 $-Inf;
	v1 =	vlaneseq.u32;
	s3 =	sadd.s32 $0x1000, s3;
	s9 =	simm.s32 $0x1;
	s7 =	smax.u32 s7, $0x1  }
.LBB2_2:
0x11: {  	[tilespmem:$0x2580] =	vst v0  }
0x12: {  	[tilespmem:$0x2590] =	vst v0  }
0x13: {  	[tilespmem:$0x25A0] =	vst v0  }
0x14: {  	[tilespmem:$0x25B0] =	vst v0  }
0x15: {  	[tilespmem:$0x25C0] =	vst v0  }
0x16: {  	[tilespmem:$0x25D0] =	vst v0  }
0x17: {  	[tilespmem:$0x25E0] =	vst v0  }
0x18: {  	[tilespmem:$0x25F0] =	vst v0;
	s16 =	simm.s32 $0x0  }
0x19: {  	[tilespmem:s16], [sflag:$0x1] =	stream.strided.gather [hbm4b:s6+s8], $0x2580, s12, s8, $0x38;
	[tilespmem:$0x5060] =	vst v63  }
0x1a: {  	_ =	swait.ge [sflag:s9], $0x2580  }
0x1b: {  	[sflag:s9] =	ssyncset.done $0x0  }
0x1c: {  	[sflag:s9] =	ssyncadd.s32 $0xFFFFDA80  }
0x1d: {  	[tilespmem:s10], [sflag:$0x1] =	stream.strided.gather [hbm4b:s3+s8], $0x2580, s12, s8, $0x38;
	[tilespmem:$0x5060] =	vst v63  }
0x1e: {  	_ =	swait.ge [sflag:s9], $0x2580  }
0x1f: {  	[sflag:s9] =	ssyncset.done $0x0  }
0x20: {  	[sflag:s9] =	ssyncadd.s32 $0xFFFFDA80  }
0x21: {  	v2 =	vld [tilespmem:s12+$0xFFFFFF90]  }
0x22: {  	s19 =	simm.s32 $0x40;
	s18 =	simm.s32 $0x80;
	s17 =	simm.s32 $0x0;
	v3 =	vld [tilespmem:s12+$0xFFFFFF80]  }
.LBB2_3:
0x23: {  	p0 =	sne.s32 s19, $0x940;
	v4 =	vld [tilespmem:s18+$0xFFFFFFA0]  }
0x24: {  	v5 =	vld [tilespmem:s18+$0xFFFFFFB0]  }
0x25: {  	v6 =	vld [tilespmem:s18+$0xFFFFFFC0]  }
0x26: {  	v7 =	vld [tilespmem:s18+$0xFFFFFFD0]  }
0x27: {  	v2 =	vmax.f32 v3, v2;
	v3 =	vld [tilespmem:s18+$0xFFFFFFE0]  }
0x28: {  	v2 =	vmax.f32 v2, v4;
	v4 =	vld [tilespmem:s18+$0xFFFFFFF0]  }
0x29: {  	v2 =	vmax.f32 v2, v5;
	v5 =	vld [tilespmem:s18+$0x0]  }
0x2a: {  	v2 =	vmax.f32 v2, v6;
	v6 =	vld [tilespmem:s18+$0x10]  }
0x2b: {  	v2 =	vmax.f32 v2, v7;
	v7 =	vld [tilespmem:s18+$0x20]  }
0x2c: {  	v2 =	vmax.f32 v2, v3;
	v3 =	vld [tilespmem:s18+$0x30]  }
0x2d: {  	v2 =	vmax.f32 v2, v4;
	v4 =	vld [tilespmem:s18+$0x40]  }
0x2e: {  	v2 =	vmax.f32 v2, v5;
	v5 =	vld [tilespmem:s18+$0x50]  }
0x2f: {  	v2 =	vmax.f32 v2, v6;
	v6 =	vld [tilespmem:s18+$0x60]  }
0x30: {  	v2 =	vmax.f32 v2, v7;
	v7 =	vld [tilespmem:s18+$0x70]  }
0x31: {  	v2 =	vmax.f32 v2, v3  }
0x32: {  	v2 =	vmax.f32 v2, v4  }
0x33: {  	v2 =	vmax.f32 v2, v5  }
.Ltmp1:
0x34: {  	v2 =	vmax.f32 v2, v6;
	(pc) =	sbr.rel @p0 .LBB2_3-.Ltmp1, $4  }
0x35: {  	s20 =	sshra.s32 s17, $0x2;
	s17 =	smov.u32 s19;
	v2 =	vmax.f32 v2, v7  }
0x36: {  	s18 =	sadd.s32 $0x100, s18;
	[tilespmem:s20+$0x4B80] =	vst v2  }
0x37: {  	v2 =	vld [tilespmem:s18+$0xFFFFFF90]  }
0x38: {  	s19 =	sadd.s32 $0x40, s19;
	v3 =	vld [tilespmem:s18+$0xFFFFFF80]  }
0x39: {  	v4 =	vld [tilespmem:s18+$0xFFFFFFA0]  }
0x3a: {  	v5 =	vld [tilespmem:s18+$0xFFFFFFB0]  }
0x3b: {  	v6 =	vld [tilespmem:s18+$0xFFFFFFC0]  }
0x3c: {  	v7 =	vld [tilespmem:s18+$0xFFFFFFD0]  }
0x3d: {  	v2 =	vmax.f32 v3, v2;
	v3 =	vld [tilespmem:s18+$0xFFFFFFE0]  }
0x3e: {  	v56 =	vld [tilespmem:s18+$0xFFFFFFF0];
	v2 =	vmax.f32 v2, v4  }
0x3f: {  	v57 =	vld [tilespmem:s18+$0x0];
	v2 =	vmax.f32 v2, v5  }
0x40: {  	v58 =	vld [tilespmem:s18+$0x10];
	v2 =	vmax.f32 v2, v6  }
0x41: {  	v59 =	vld [tilespmem:s18+$0x20];
	v2 =	vmax.f32 v2, v7  }
0x42: {  	v2 =	vmax.f32 v2, v3;
	v3 =	vld [tilespmem:s18+$0x30]  }
0x43: {  	v60 =	vld [tilespmem:s18+$0x40];
	v2 =	vmax.f32 v2, v56  }
0x44: {  	v61 =	vld [tilespmem:s18+$0x50];
	v2 =	vmax.f32 v2, v57  }
0x45: {  	v62 =	vld [tilespmem:s18+$0x60];
	v2 =	vmax.f32 v2, v58  }
0x46: {  	v63 =	vld [tilespmem:s18+$0x70];
	v2 =	vmax.f32 v2, v59  }
0x47: {  	v2 =	vmax.f32 v2, v3  }
0x48: {  	v2 =	vmax.f32 v2, v60  }
0x49: {  	v2 =	vmax.f32 v2, v61  }
0x4a: {  	v2 =	vmax.f32 v2, v62  }
0x4b: {  	s17 =	sshra.s32 s17, $0x2;
	v2 =	vmax.f32 v2, v63  }
0x4c: {  	[tilespmem:s17+$0x4B80] =	vst v2  }
.LBB2_5:
0x4d: {  	s17 =	simm.s32 $0x4B80  }
0x4e: {  	v3 =	vld [tilespmem:s17+$0x0];
	_ =	sdelay $0x3  }
0x4f: {  	v4 =	vimm.f32 $-Inf  }
0x50: {  	v2 =	vimm.s32 $0x40000000;
	s18 =	simm.s32 $0x1;
	s19 =	simm.s32 $0x4B90;
	s17 =	simm.s32 $0x0;
	vm0 =	vgt.f32 v3, v4  }
.LBB2_6:
0x51: {  	p0 =	sne.s32 s18, $0x25;
	v4 =	vsel vm0, v3, v4;
	v3 =	vld [tilespmem:s19+$0x0];
	v2 =	vsel vm0, s17, v2;
	s17 =	smov.u32 s18;
	s18 =	sadd.s32 $0x1, s18  }
.Ltmp2:
0x52: {  	(pc) =	sbr.rel @p0 .LBB2_6-.Ltmp2, $2  }
0x53: {  	_ =	sdelay $0x2  }
0x54: {  	s19 =	sadd.s32 $0x10, s19;
	vm0 =	vgt.f32 v3, v4  }
0x55: {  	v5 =	vsel vm0, s17, v2  }
0x56: {  	v2 =	vshll.u32 v5, $0x4;
	v5 =	vshll.u32 v5, $0x8  }
0x57: {  	v5 =	vor.u32 v1, v5;
	v6 =	vor.u32 $0x1, v2  }
0x58: {  	v7 =	vshll.u32 v6, $0x4  }
0x59: {  	v7 =	vor.u32 v1, v7  }
0x5a: {  	v8 =	vor.u32 $0x2, v2  }
0x5b: {  	v9 =	vshll.u32 v8, $0x4  }
0x5c: {  	v9 =	vor.u32 v1, v9;
	v5 =	vld.idx.msk [tilespmem:v5+s2+$0x0], $0xffff  }
0x5d: {  	v10 =	vor.u32 $0x3, v2  }
0x5e: {  	v11 =	vshll.u32 v10, $0x4;
	v7 =	vld.idx.msk [tilespmem:v7+s2+$0x0], $0xffff  }
0x5f: {  	v11 =	vor.u32 v1, v11  }
0x60: {  	v3 =	vsel vm0, v3, v4;
	v60 =	vor.u32 $0x4, v2  }
0x61: {  	v12 =	vshll.u32 v60, $0x4;
	v9 =	vld.idx.msk [tilespmem:v9+s2+$0x0], $0xffff;
	vm0 =	veq.f32 v5, v3  }
0x62: {  	v12 =	vor.u32 v1, v12;
	v13 =	vnsel vm0, $0x40000000, v2  }
0x63: {  	v14 =	vor.u32 $0x5, v2;
	vm8 =	veq.f32 v7, v3;
	vm1 =	veq.s32 v13, $0x40000000  }
0x64: {  	v15 =	vshll.u32 v14, $0x4;
	v11 =	vld.idx.msk [tilespmem:v11+s2+$0x0], $0xffff;
	vm0 =	vmand vm8, vm1  }
0x65: {  	v15 =	vor.u32 v1, v15;
	v13 =	vsel vm0, v6, v13  }
0x66: {  	v16 =	vor.u32 $0x6, v2;
	vm9 =	veq.f32 v9, v3;
	vm10 =	veq.s32 v13, $0x40000000  }
0x67: {  	v17 =	vshll.u32 v16, $0x4;
	v12 =	vld.idx.msk [tilespmem:v12+s2+$0x0], $0xffff;
	vm0 =	vmand vm9, vm10  }
0x68: {  	v17 =	vor.u32 v1, v17;
	v13 =	vsel vm0, v8, v13  }
0x69: {  	v18 =	vor.u32 $0x7, v2;
	vm11 =	veq.f32 v11, v3;
	vm12 =	veq.s32 v13, $0x40000000  }
0x6a: {  	v19 =	vshll.u32 v18, $0x4;
	v15 =	vld.idx.msk [tilespmem:v15+s2+$0x0], $0xffff;
	vm0 =	vmand vm11, vm12  }
0x6b: {  	v19 =	vor.u32 v1, v19;
	v13 =	vsel vm0, v10, v13  }
0x6c: {  	v20 =	vor.u32 $0x8, v2;
	vm13 =	veq.f32 v12, v3;
	vm14 =	veq.s32 v13, $0x40000000  }
0x6d: {  	v21 =	vshll.u32 v20, $0x4;
	v17 =	vld.idx.msk [tilespmem:v17+s2+$0x0], $0xffff;
	vm0 =	vmand vm13, vm14  }
0x6e: {  	v21 =	vor.u32 v1, v21;
	v13 =	vsel vm0, v60, v13  }
0x6f: {  	v22 =	vor.u32 $0x9, v2;
	vm15 =	veq.f32 v15, v3;
	vm4 =	veq.s32 v13, $0x40000000  }
0x70: {  	v23 =	vshll.u32 v22, $0x4;
	v19 =	vld.idx.msk [tilespmem:v19+s2+$0x0], $0xffff;
	vm0 =	vmand vm15, vm4  }
0x71: {  	v23 =	vor.u32 v1, v23;
	v13 =	vsel vm0, v14, v13  }
0x72: {  	v24 =	vor.u32 $0xA, v2;
	vm5 =	veq.f32 v17, v3;
	vm6 =	veq.s32 v13, $0x40000000  }
0x73: {  	v25 =	vshll.u32 v24, $0x4;
	v21 =	vld.idx.msk [tilespmem:v21+s2+$0x0], $0xffff;
	vm0 =	vmand vm5, vm6  }
0x74: {  	v25 =	vor.u32 v1, v25;
	v13 =	vsel vm0, v16, v13  }
0x75: {  	v26 =	vor.u32 $0xB, v2;
	vm7 =	veq.f32 v19, v3;
	vm8 =	veq.s32 v13, $0x40000000  }
0x76: {  	v27 =	vshll.u32 v26, $0x4;
	v23 =	vld.idx.msk [tilespmem:v23+s2+$0x0], $0xffff;
	vm0 =	vmand vm7, vm8  }
0x77: {  	v27 =	vor.u32 v1, v27;
	v13 =	vsel vm0, v18, v13  }
0x78: {  	v28 =	vor.u32 $0xC, v2;
	vm9 =	veq.f32 v21, v3;
	vm10 =	veq.s32 v13, $0x40000000  }
0x79: {  	v29 =	vshll.u32 v28, $0x4;
	v25 =	vld.idx.msk [tilespmem:v25+s2+$0x0], $0xffff;
	vm0 =	vmand vm9, vm10  }
0x7a: {  	v29 =	vor.u32 v1, v29;
	v13 =	vsel vm0, v20, v13  }
0x7b: {  	v30 =	vor.u32 $0xD, v2;
	vm11 =	veq.f32 v23, v3;
	vm12 =	veq.s32 v13, $0x40000000  }
0x7c: {  	v31 =	vshll.u32 v30, $0x4;
	v27 =	vld.idx.msk [tilespmem:v27+s2+$0x0], $0xffff;
	vm0 =	vmand vm11, vm12  }
0x7d: {  	v31 =	vor.u32 v1, v31;
	v13 =	vsel vm0, v22, v13  }
0x7e: {  	v32 =	vor.u32 $0xE, v2;
	vm13 =	veq.f32 v25, v3;
	vm14 =	veq.s32 v13, $0x40000000  }
0x7f: {  	v33 =	vshll.u32 v32, $0x4;
	v29 =	vld.idx.msk [tilespmem:v29+s2+$0x0], $0xffff;
	vm0 =	vmand vm13, vm14  }
0x80: {  	v33 =	vor.u32 v1, v33;
	v13 =	vsel vm0, v24, v13  }
0x81: {  	v34 =	vor.u32 $0xF, v2;
	vm15 =	veq.f32 v27, v3;
	vm4 =	veq.s32 v13, $0x40000000  }
0x82: {  	v35 =	vshll.u32 v34, $0x4;
	v31 =	vld.idx.msk [tilespmem:v31+s2+$0x0], $0xffff;
	vm0 =	vmand vm15, vm4  }
0x83: {  	v35 =	vor.u32 v1, v35;
	v13 =	vsel vm0, v26, v13  }
0x84: {  	vm5 =	veq.f32 v29, v3;
	vm6 =	veq.s32 v13, $0x40000000  }
0x85: {  	v33 =	vld.idx.msk [tilespmem:v33+s2+$0x0], $0xffff;
	vm0 =	vmand vm5, vm6  }
0x86: {  	v13 =	vsel vm0, v28, v13  }
0x87: {  	vm7 =	veq.f32 v31, v3;
	vm8 =	veq.s32 v13, $0x40000000  }
0x88: {  	v35 =	vld.idx.msk [tilespmem:v35+s2+$0x0], $0xffff;
	vm0 =	vmand vm7, vm8  }
0x89: {  	v13 =	vsel vm0, v30, v13  }
0x8a: {  	vm9 =	veq.f32 v33, v3;
	vm10 =	veq.s32 v13, $0x40000000  }
0x8b: {  	vm0 =	vmand vm9, vm10  }
0x8c: {  	v13 =	vsel vm0, v32, v13  }
0x8d: {  	vm11 =	veq.f32 v35, v3;
	vm12 =	veq.s32 v13, $0x40000000  }
0x8e: {  	vm0 =	vmand vm11, vm12  }
0x8f: {  	v13 =	vsel vm0, v34, v13  }
0x90: {  	vm0 =	veq.s32 v6, v13  }
0x91: {  	v6 =	vsel vm0, $0xFF800000, v7  }
0x92: {  	vm13 =	veq.s32 v2, v13;
	v5 =	vmax.f32 v5, v6  }
0x93: {  	v5 =	vsel vm13, v6, v5  }
0x94: {  	vm14 =	veq.s32 v8, v13;
	v6 =	vmax.f32 v5, v9  }
0x95: {  	v5 =	vsel vm14, v5, v6  }
0x96: {  	vm15 =	veq.s32 v10, v13;
	v6 =	vmax.f32 v5, v11  }
0x97: {  	v5 =	vsel vm15, v5, v6  }
0x98: {  	vm4 =	veq.s32 v60, v13;
	v61 =	vmax.f32 v5, v12  }
0x99: {  	v4 =	vsel vm4, v5, v61  }
0x9a: {  	vm5 =	veq.s32 v14, v13;
	v5 =	vmax.f32 v4, v15  }
0x9b: {  	v4 =	vsel vm5, v4, v5  }
0x9c: {  	vm6 =	veq.s32 v16, v13;
	v5 =	vmax.f32 v4, v17  }
0x9d: {  	v4 =	vsel vm6, v4, v5  }
0x9e: {  	vm7 =	veq.s32 v18, v13;
	v5 =	vmax.f32 v4, v19  }
0x9f: {  	v4 =	vsel vm7, v4, v5  }
0xa0: {  	vm8 =	veq.s32 v20, v13;
	v5 =	vmax.f32 v4, v21  }
0xa1: {  	v4 =	vsel vm8, v4, v5  }
0xa2: {  	vm9 =	veq.s32 v22, v13;
	v5 =	vmax.f32 v4, v23  }
0xa3: {  	v4 =	vsel vm9, v4, v5  }
0xa4: {  	vm10 =	veq.s32 v24, v13;
	v5 =	vmax.f32 v4, v25  }
0xa5: {  	v4 =	vsel vm10, v4, v5  }
0xa6: {  	vm11 =	veq.s32 v26, v13;
	v5 =	vmax.f32 v4, v27  }
0xa7: {  	v4 =	vsel vm11, v4, v5  }
0xa8: {  	vm12 =	veq.s32 v28, v13;
	v5 =	vmax.f32 v4, v29  }
0xa9: {  	v62 =	vshll.u32 v13, $0x4;
	v4 =	vsel vm12, v4, v5  }
0xaa: {  	vm13 =	veq.s32 v30, v13;
	v5 =	vor.u32 v1, v62;
	v63 =	vmax.f32 v4, v31  }
0xab: {  	v2 =	vor.u32 v1, v2;
	v4 =	vsel vm13, v4, v63  }
0xac: {  	vm14 =	veq.s32 v32, v13;
	v6 =	vmax.f32 v4, v33  }
0xad: {  	v4 =	vsel vm14, v4, v6  }
0xae: {  	vm15 =	veq.s32 v34, v13;
	v6 =	vmax.f32 v4, v35  }
0xaf: {  	[tilespmem:v5+s2+$0x0] =	vst.idx.msk $0xffff, v0;
	v4 =	vsel vm15, v4, v6  }
0xb0: {  	s31 =	sshll.u32 s16, $0x4;
	[tilespmem:v2+s11+$0x0] =	vst.idx.msk $0xffff, v4  }
0xb1: {  	s16 =	sadd.s32 $0x1, s16;
	[tilespmem:s31+$0x4DE0] =	vst v3  }
0xb2: {  	p0 =	sne.s32 s16, $0x14;
	v2 =	vld.idx.msk [tilespmem:v5+s10+$0x0], $0xffff  }
.Ltmp3:
0xb3: {  	_ = 	snop;
	(pc) =	sbr.rel @p0 .LBB2_5-.Ltmp3, $2  }
0xb4: {  	_ =	sdelay $0x2  }
0xb5: {  	[tilespmem:s31+$0x4F20] =	vst v2  }
0xb6: {  	[hbm4b:s4+s8] =	stream.strided.scatter [tilespmem:s13], [sflag:$0x1], $0x140, s12, s8, $0x38;
	[tilespmem:$0x5060] =	vst v63  }
0xb7: {  	s15 =	sadd.s32 $0x1, s15;
	_ =	swait.ge [sflag:s9], $0x140  }
0xb8: {  	p0 =	sne.s32 s15, s7;
	[sflag:s9] =	ssyncset.done $0x0  }
.Ltmp4:
0xb9: {  	[sflag:s9] =	ssyncadd.s32 $0xFFFFFEC0;
	(pc) =	sbr.rel @p0 .LBB2_2-.Ltmp4, $4  }
0xba: {  	[hbm4b:s5+s8] =	stream.strided.scatter [tilespmem:s14], [sflag:$0x1], $0x140, s12, s8, $0x38;
	[tilespmem:$0x5060] =	vst v63  }
0xbb: {  	_ =	swait.ge [sflag:s9], $0x140  }
0xbc: {  	[sflag:s9] =	ssyncset.done $0x0  }
0xbd: {  	[sflag:s9] =	ssyncadd.s32 $0xFFFFFEC0  }
.LBB2_9:
0xbe: {  	_ =	sfence.sel $0x180000  }
0xbf: {  	[bflag:$0x0] =	sbarrier.arrive $0xFFFF  }
0xc0: {  	p0 =	sne.s32 s1, $0x0;
	_ =	strace $0x90000047  }
0xc1: {  	s0 =	sadd.s32 @!p0 $0x100000, s0;
	[bflag:$0x2] =	sbarrier.arrive $0xFFFF  }
0xc2: {  	[sflag:s0] =	ssyncadd.tile.s32 @!p0 $0x1;
	_ =	shalt  }
.Lfunc_end2:
_tile_overlayer_lowered:
.L_overlay_start_2:
0xc3: {  	(tag) =	ssettag $0x2  }
0xc4: {  	s0 =	rddreg [dreg:$0x0];
	s2 =	stileid.u32  }
0xc5: {  	s1 =	rddreg [dreg:$0x1];
	p0 =	sne.s32 s2, $0x0  }
0xc6: {  	s3 =	rddreg [dreg:$0x2];
	[bflag:$0x3] =	sbarrier.arrive $0xFFFF;
	s2 =	simm.s32 @!p0 $0x1C01  }
0xc7: {  	[timem:s3], [sflag:s2] =	dma.local @!p0 [hbm:s0], s1  }
0xc8: {  	s0 =	simm.s32 @!p0 $0x1  }
0xc9: {  	_ =	swait.ge @!p0 [sflag:s0], s1  }
0xca: {  	s1 =	ssub.s32 @!p0 $0x0, s1;
	[sflag:s0] =	ssyncset.done @!p0 $0x0  }
0xcb: {  	[sflag:s0] =	ssyncadd.s32 @!p0 s1  }
0xcc: {  	[bflag:$0x3] =	sbarrier.arrive $0xFFFF  }
0xcd: {  	_ =	shalt  }

</sc_bundles>
